<compile_context>
chip_gen: v7x
topology: tpu7x:2x2x1
jax: 0.10.2.dev20260603
libtpu: 0.0.44.dev20260713+nightly
codegen_flags: <defaults>
</compile_context>

<pallas_src>
import jax
import jax.numpy as jnp
from jax import lax
from jax.experimental import pallas as pl
from jax.experimental.pallas import tpu as pltpu
from jax.experimental.pallas import tpu_sc as plsc

N = 50000
E = 800000
EP = 802816
ROWS = EP // 128
HID = 100
HIDP = 128

NW = 32
W_EDGES = EP // NW
GCH = 3136
GW = GCH // 16
G_NCHUNK = W_EDGES // GCH

T_EDGES = EP // 16
SCH = 256
S_NCHUNK = T_EDGES // SCH
NPAD = 50008
NT = N // 16
Q = 32

_sc_mesh = plsc.VectorSubcoreMesh(core_axis_name="c", subcore_axis_name="s")
_sc_params = pltpu.CompilerParams(use_tc_tiling_on_sc=False)


def _gather_body(x8, sg, rg, spos, rpos,
                 sidx0, ridx0, srows0, rrows0,
                 sidx1, ridx1, srows1, rrows1,
                 isem, gsem, wsem):
    c = lax.axis_index("c")
    s = lax.axis_index("s")
    wid = s * 2 + c
    edge_base = wid * W_EDGES
    bufs = ((sidx0, ridx0, srows0, rrows0), (sidx1, ridx1, srows1, rrows1))

    def load_idx(i, b):
        sidx, ridx, _, _ = bufs[b]
        e0 = edge_base + i * GCH
        pltpu.async_copy(sg.at[pl.ds(e0, GCH)], sidx, isem)
        pltpu.async_copy(rg.at[pl.ds(e0, GCH)], ridx, isem)

    def drain_idx(b):
        sidx, ridx, _, _ = bufs[b]
        pltpu.make_async_copy(sg.at[pl.ds(0, GCH)], sidx, isem).wait()
        pltpu.make_async_copy(rg.at[pl.ds(0, GCH)], ridx, isem).wait()

    def fire_gather(b):
        sidx, ridx, srows, rrows = bufs[b]
        pltpu.async_copy(x8.at[sidx], srows, gsem)
        pltpu.async_copy(x8.at[ridx], rrows, gsem)

    def drain_gather(b):
        sidx, ridx, srows, rrows = bufs[b]
        pltpu.make_async_copy(x8.at[sidx], srows, gsem).wait()
        pltpu.make_async_copy(x8.at[ridx], rrows, gsem).wait()

    def fire_wb(i, b):
        _, _, srows, rrows = bufs[b]
        e0 = edge_base + i * GCH
        pltpu.async_copy(srows, spos.at[pl.ds(e0, GCH)], wsem)
        pltpu.async_copy(rrows, rpos.at[pl.ds(e0, GCH)], wsem)

    def drain_wb(b):
        _, _, srows, rrows = bufs[b]
        pltpu.make_async_copy(srows, spos.at[pl.ds(0, GCH)], wsem).wait()
        pltpu.make_async_copy(rrows, rpos.at[pl.ds(0, GCH)], wsem).wait()

    load_idx(0, 0)

    def pair(p, carry):
        i = p * 2
        drain_idx(0)
        load_idx(i + 1, 1)

        @pl.when(p > 0)
        def _():
            drain_wb(0)
        fire_gather(0)
        drain_idx(1)
        drain_gather(0)
        fire_wb(i, 0)

        @pl.when(p > 0)
        def _():
            drain_wb(1)
        fire_gather(1)

        @pl.when(p + 1 < G_NCHUNK // 2)
        def _():
            load_idx(i + 2, 0)
        drain_gather(1)
        fire_wb(i + 1, 1)
        return carry

    lax.fori_loop(0, G_NCHUNK // 2, pair, 0)
    drain_wb(0)
    drain_wb(1)


def _scatter_body(e, ss, zeros, agg, acc,
                  sidx0, ebuf0, sidx1, ebuf1, lsem, csem):
    c = lax.axis_index("c")
    s = lax.axis_index("s")
    bufs = ((sidx0, ebuf0), (sidx1, ebuf1))

    def do_quarter(qoff):
        pltpu.sync_copy(zeros, acc.at[pl.ds(s * NT, NT)])
        plsc.subcore_barrier()

        def load(i, b):
            sidx, ebuf = bufs[b]
            e0 = s * T_EDGES + i * SCH
            pltpu.async_copy(ss.at[pl.ds(e0, SCH)], sidx, lsem)
            pltpu.async_copy(
                e.at[pl.ds(e0, SCH), pl.ds(qoff, Q)], ebuf, lsem)

        def drain_load(b):
            sidx, ebuf = bufs[b]
            pltpu.make_async_copy(ss.at[pl.ds(0, SCH)], sidx, lsem).wait()
            pltpu.make_async_copy(
                e.at[pl.ds(0, SCH), pl.ds(qoff, Q)], ebuf, lsem).wait()

        def fire_scatter(b):
            sidx, ebuf = bufs[b]
            pltpu.async_copy(ebuf, acc.at[sidx], csem, add=True)

        def drain_scatter(b):
            sidx, ebuf = bufs[b]
            pltpu.make_async_copy(ebuf, acc.at[sidx], csem).wait()

        load(0, 0)

        def pair(p, carry):
            i = p * 2

            @pl.when(p > 0)
            def _():
                drain_scatter(1)
            load(i + 1, 1)
            drain_load(0)
            fire_scatter(0)
            drain_load(1)
            drain_scatter(0)

            @pl.when(p + 1 < S_NCHUNK // 2)
            def _():
                load(i + 2, 0)
            fire_scatter(1)
            return carry

        lax.fori_loop(0, S_NCHUNK // 2, pair, 0)
        drain_scatter(1)
        plsc.subcore_barrier()
        pltpu.sync_copy(acc.at[pl.ds(s * NT, NT)],
                        agg.at[pl.ds(s * NT, NT), pl.ds(qoff, Q)])
        plsc.subcore_barrier()

    @pl.when(c == 0)
    def _():
        do_quarter(0)
        do_quarter(2 * Q)

    @pl.when(c == 1)
    def _():
        do_quarter(Q)
        do_quarter(3 * Q)


def _relation_mlp_body(sp, rp, w1s, w1r, b1, w2, b2, w3, b3, w4, b4, out):
    f32 = jnp.float32
    bf16 = jnp.bfloat16
    h = jnp.dot(sp[...], w1s[...], preferred_element_type=f32)
    h = h + jnp.dot(rp[...], w1r[...], preferred_element_type=f32) + b1[...]
    h = jnp.maximum(h, 0.0)
    h = jnp.maximum(jnp.dot(h.astype(bf16), w2[...],
                            preferred_element_type=f32) + b2[...], 0.0)
    h = jnp.maximum(jnp.dot(h.astype(bf16), w3[...],
                            preferred_element_type=f32) + b3[...], 0.0)
    h = jnp.maximum(jnp.dot(h.astype(bf16), w4[...],
                            preferred_element_type=f32) + b4[...], 0.0)
    out[...] = h


def _object_mlp_body(x, agg, w1x, w1a, b1, w2, b2, out):
    f32 = jnp.float32
    h = jnp.dot(x[...], w1x[...], preferred_element_type=f32)
    h = h + jnp.dot(agg[...], w1a[...], preferred_element_type=f32) + b1[...]
    h = jnp.maximum(h, 0.0)
    out[...] = jnp.dot(h, w2[...], preferred_element_type=f32) + b2[...]


ET = 4096
E_GRID = EP // ET
NTC = 2000
N_GRID = N // NTC


def _full(shape):
    return pl.BlockSpec(shape, lambda i: (0,) * len(shape))


def _run_gather(x8, sg, rg):
    i32 = jnp.int32
    f32 = jnp.float32
    return pl.kernel(
        _gather_body,
        out_type=(jax.ShapeDtypeStruct((EP, 8), f32),
                  jax.ShapeDtypeStruct((EP, 8), f32)),
        mesh=_sc_mesh,
        compiler_params=_sc_params,
        scratch_types=[
            pltpu.VMEM((GCH,), i32), pltpu.VMEM((GCH,), i32),
            pltpu.VMEM((GCH, 8), f32), pltpu.VMEM((GCH, 8), f32),
            pltpu.VMEM((GCH,), i32), pltpu.VMEM((GCH,), i32),
            pltpu.VMEM((GCH, 8), f32), pltpu.VMEM((GCH, 8), f32),
            pltpu.SemaphoreType.DMA,
            pltpu.SemaphoreType.DMA,
            pltpu.SemaphoreType.DMA,
        ],
    )(x8, sg, rg)


def _run_relation_mlp(spos, rpos, rm_w1, rm_b1, rm_w2, rm_b2, rm_w3, rm_b3,
                      rm_w4, rm_b4):
    f32 = jnp.float32
    bf16 = jnp.bfloat16
    w1s = jnp.pad(rm_w1[0:2], ((0, 6), (0, 0)))
    w1r = jnp.pad(rm_w1[2:4], ((0, 6), (0, 0)))
    w2b = rm_w2.astype(bf16)
    w3b = rm_w3.astype(bf16)
    w4p = jnp.pad(rm_w4, ((0, 0), (0, HIDP - HID))).astype(bf16)
    b4p = jnp.pad(rm_b4, (0, HIDP - HID))
    return pl.pallas_call(
        _relation_mlp_body,
        grid=(E_GRID,),
        in_specs=[
            pl.BlockSpec((ET, 8), lambda i: (i, 0)),
            pl.BlockSpec((ET, 8), lambda i: (i, 0)),
            _full((8, HID)), _full((8, HID)), _full((1, HID)),
            _full((HID, HID)), _full((1, HID)),
            _full((HID, HID)), _full((1, HID)),
            _full((HID, HIDP)), _full((1, HIDP)),
        ],
        out_specs=pl.BlockSpec((ET, HIDP), lambda i: (i, 0)),
        out_shape=jax.ShapeDtypeStruct((EP, HIDP), f32),
        compiler_params=pltpu.CompilerParams(
            dimension_semantics=("arbitrary",)),
    )(spos, rpos, w1s, w1r, rm_b1.reshape(1, HID),
      w2b, rm_b2.reshape(1, HID), w3b, rm_b3.reshape(1, HID),
      w4p, b4p.reshape(1, HIDP))


def _run_scatter(e, ss, zeros):
    i32 = jnp.int32
    f32 = jnp.float32
    return pl.kernel(
        _scatter_body,
        out_type=jax.ShapeDtypeStruct((N, HIDP), f32),
        mesh=_sc_mesh,
        compiler_params=_sc_params,
        scratch_types=[
            pltpu.VMEM_SHARED((NPAD, Q), f32),
            pltpu.VMEM((SCH,), i32), pltpu.VMEM((SCH, Q), f32),
            pltpu.VMEM((SCH,), i32), pltpu.VMEM((SCH, Q), f32),
            pltpu.SemaphoreType.DMA,
            pltpu.SemaphoreType.DMA,
        ],
    )(e, ss, zeros)


def _run_object_mlp(x, agg, om_w1, om_b1, om_w2, om_b2):
    f32 = jnp.float32
    w1a = jnp.pad(om_w1[2:], ((0, HIDP - HID), (0, 0)))
    return pl.pallas_call(
        _object_mlp_body,
        grid=(N_GRID,),
        in_specs=[
            pl.BlockSpec((NTC, 2), lambda i: (i, 0)),
            pl.BlockSpec((NTC, HIDP), lambda i: (i, 0)),
            _full((2, HID)), _full((HIDP, HID)), _full((1, HID)),
            _full((HID, 2)), _full((1, 2)),
        ],
        out_specs=pl.BlockSpec((NTC, 2), lambda i: (i, 0)),
        out_shape=jax.ShapeDtypeStruct((N, 2), f32),
        compiler_params=pltpu.CompilerParams(
            dimension_semantics=("arbitrary",)),
    )(x, agg, om_w1[0:2], w1a, om_b1.reshape(1, HID),
      om_w2, om_b2.reshape(1, 2))


def _prep_indices(x, edge_index):
    sender = edge_index[0]
    receiver = edge_index[1]
    pad = EP - E
    sg = jnp.pad(sender, (0, pad))
    rg = jnp.pad(receiver, (0, pad))
    ss = jnp.pad(sender, (0, pad), constant_values=N)
    x8 = jnp.pad(x, ((0, 0), (0, 6)))
    zeros = jnp.zeros((NT, Q), jnp.float32)
    return x8, sg, rg, ss, zeros


def kernel(x, edge_index, rm_w1, rm_b1, rm_w2, rm_b2, rm_w3, rm_b3,
           rm_w4, rm_b4, om_w1, om_b1, om_w2, om_b2):
    x8, sg, rg, ss, zeros = _prep_indices(x, edge_index)
    spos, rpos = _run_gather(x8, sg, rg)
    e = _run_relation_mlp(spos, rpos, rm_w1, rm_b1, rm_w2, rm_b2,
                          rm_w3, rm_b3, rm_w4, rm_b4)
    agg = _run_scatter(e, ss, zeros)
    return _run_object_mlp(x, agg, om_w1, om_b1, om_w2, om_b2)

# --- scband reference (transcript-rebuilt; emitter-appended) ---
"""Pipeline reference for scband-my-interaction-network-59004260712594 (READ-ONLY COPY).

The authoritative reference and input builder live on the scoring server;
editing this copy changes nothing except your own understanding.
"""

import jax, jax.numpy as jnp
import numpy as np

N = 50000
E = 800000
OBJ_DIM = 2
REL_DIM = 1
EFF_DIM = 100
HID = 100


def _linear_init(key, fan_in, fan_out):
    kw, kb = jax.random.split(key)
    bound = 1.0 / np.sqrt(fan_in)
    W = jax.random.uniform(kw, (fan_in, fan_out), dtype=jnp.float32, minval=-bound, maxval=bound)
    b = jax.random.uniform(kb, (fan_out,), dtype=jnp.float32, minval=-bound, maxval=bound)
    return W, b


def setup_inputs(seed: int = 0) -> dict:
    key = jax.random.key(seed)
    ks = jax.random.split(key, 10)
    x = jax.random.normal(ks[0], (N, OBJ_DIM), dtype=jnp.float32)
    edge_index = jax.random.randint(ks[1], (2, E), 0, N, dtype=jnp.int32)
    # RelationModel: Linear(2*obj+rel=5, 100) -> ReLU -> Linear(100,100) -> ReLU -> Linear(100,100) -> ReLU -> Linear(100, eff=100) -> ReLU
    rm_w1, rm_b1 = _linear_init(ks[2], 2 * OBJ_DIM + REL_DIM, HID)
    rm_w2, rm_b2 = _linear_init(ks[3], HID, HID)
    rm_w3, rm_b3 = _linear_init(ks[4], HID, HID)
    rm_w4, rm_b4 = _linear_init(ks[5], HID, EFF_DIM)
    # ObjectModel: Linear(obj+eff=102, 100) -> ReLU -> Linear(100, 2)
    om_w1, om_b1 = _linear_init(ks[6], OBJ_DIM + EFF_DIM, HID)
    om_w2, om_b2 = _linear_init(ks[7], HID, 2)
    return {
        "x": x,
        "edge_index": edge_index,
        "rm_w1": rm_w1, "rm_b1": rm_b1,
        "rm_w2": rm_w2, "rm_b2": rm_b2,
        "rm_w3": rm_w3, "rm_b3": rm_b3,
        "rm_w4": rm_w4, "rm_b4": rm_b4,
        "om_w1": om_w1, "om_b1": om_b1,
        "om_w2": om_w2, "om_b2": om_b2,
    }


def reference(x, edge_index, rm_w1, rm_b1, rm_w2, rm_b2, rm_w3, rm_b3, rm_w4, rm_b4, om_w1, om_b1, om_w2, om_b2):
    sender_idx = edge_index[0]
    receiver_idx = edge_index[1]
    # marshalling: gather sender/receiver features; the torch scatter_add with arange
    # indices is an identity copy, so ors/orr are just the gathered features.
    sender_pos = jnp.take(x, sender_idx, axis=0)      # [E, obj_dim]
    receiver_pos = jnp.take(x, receiver_idx, axis=0)  # [E, obj_dim]
    r_info = jnp.zeros((sender_idx.shape[0], REL_DIM), dtype=x.dtype)
    b = jnp.concatenate([sender_pos, receiver_pos, r_info], axis=1)  # [E, 5]
    # RelationModel MLP
    h = jax.nn.relu(b @ rm_w1 + rm_b1)
    h = jax.nn.relu(h @ rm_w2 + rm_b2)
    h = jax.nn.relu(h @ rm_w3 + rm_b3)
    e = jax.nn.relu(h @ rm_w4 + rm_b4)  # [E, eff_dim]
    # aggregate effects: scatter-add over SENDER indices (faithful to original code)
    agg = jax.ops.segment_sum(e, sender_idx, num_segments=x.shape[0])  # [N, eff_dim]
    a = jnp.concatenate([x, agg], axis=1)  # [N, obj_dim + eff_dim]
    # ObjectModel MLP
    h2 = jax.nn.relu(a @ om_w1 + om_b1)
    p = h2 @ om_w2 + om_b2  # [N, 2]
    return p

if __name__ == "__main__":
    import jax
    _d = setup_inputs()
    print(jax.jit(kernel)(*tuple(_d.values())))

</pallas_src>

<mosaic_0001>
#map = affine_map<(d0, d1) -> (0, 0)>
#map1 = affine_map<(d0, d1) -> (0)>
module attributes {stable_mosaic.version = 14 : i64} {
  func.func @_gather_body(%arg0: i32, %arg1: i32, %arg2: memref<50000x8xf32, #tpu.memory_space<hbm>>, %arg3: memref<802816xi32, #tpu.memory_space<hbm>>, %arg4: memref<802816xi32, #tpu.memory_space<hbm>>, %arg5: memref<802816x8xf32, #tpu.memory_space<hbm>>, %arg6: memref<802816x8xf32, #tpu.memory_space<hbm>>, %arg7: memref<3136xi32, #tpu.memory_space<vmem>>, %arg8: memref<3136xi32, #tpu.memory_space<vmem>>, %arg9: memref<3136x8xf32, #tpu.memory_space<vmem>>, %arg10: memref<3136x8xf32, #tpu.memory_space<vmem>>, %arg11: memref<3136xi32, #tpu.memory_space<vmem>>, %arg12: memref<3136xi32, #tpu.memory_space<vmem>>, %arg13: memref<3136x8xf32, #tpu.memory_space<vmem>>, %arg14: memref<3136x8xf32, #tpu.memory_space<vmem>>, %arg15: memref<!tpu.dma_semaphore, #tpu.memory_space<semaphore_mem>>, %arg16: memref<!tpu.dma_semaphore, #tpu.memory_space<semaphore_mem>>, %arg17: memref<!tpu.dma_semaphore, #tpu.memory_space<semaphore_mem>>) attributes {dimension_semantics = [#tpu.dimension_semantics<core_parallel>, #tpu.dimension_semantics<subcore_parallel>], iteration_bounds = array<i64: 2, 16>, scalar_prefetch = 0 : i64, scratch_operands = 11 : i64, tpu.core_type = #tpu.core_type<sc_vector_subcore>, window_params = [{transform_indices = #map}, {transform_indices = #map1}, {transform_indices = #map1}, {transform_indices = #map}, {transform_indices = #map}]} {
    %mul3A = arith.constant 2 : i32
    %mul3A_0 = arith.muli %arg1, %mul3A : i32
    %add3A = arith.addi %mul3A_0, %arg0 : i32
    %mul3A_1 = arith.constant 25088 : i32
    %mul3A_2 = arith.muli %add3A, %mul3A_1 : i32
    %add3A_3 = arith.constant 0 : i32
    %add3A_4 = arith.addi %mul3A_2, %add3A_3 : i32
    %dma_start3A = tpu.memref_slice %arg3[%add3A_4] : memref<802816xi32, #tpu.memory_space<hbm>> -> memref<3136xi32, #tpu.memory_space<hbm>>
    %dma_start3A_5 = tpu.memref_slice %arg3[%add3A_4] : memref<802816xi32, #tpu.memory_space<hbm>> -> memref<3136xi32, #tpu.memory_space<hbm>>
    tpu.enqueue_dma source(%dma_start3A_5 : memref<3136xi32, #tpu.memory_space<hbm>>) target(%arg7 : memref<3136xi32, #tpu.memory_space<vmem>>) target_semaphore(%arg15 : memref<!tpu.dma_semaphore, #tpu.memory_space<semaphore_mem>>)
    %dma_start3A_6 = tpu.memref_slice %arg4[%add3A_4] : memref<802816xi32, #tpu.memory_space<hbm>> -> memref<3136xi32, #tpu.memory_space<hbm>>
    %dma_start3A_7 = tpu.memref_slice %arg4[%add3A_4] : memref<802816xi32, #tpu.memory_space<hbm>> -> memref<3136xi32, #tpu.memory_space<hbm>>
    tpu.enqueue_dma source(%dma_start3A_7 : memref<3136xi32, #tpu.memory_space<hbm>>) target(%arg8 : memref<3136xi32, #tpu.memory_space<vmem>>) target_semaphore(%arg15 : memref<!tpu.dma_semaphore, #tpu.memory_space<semaphore_mem>>)
    %scan3A = arith.constant 0 : i32
    %scan3A_8 = arith.constant 0 : i32
    %scan3A_9 = arith.constant 4 : i32
    %scan3A_10 = arith.addi %scan3A_8, %scan3A_9 : i32
    %scan3A_11 = arith.constant 1 : i32
    scf.for %scan3A_36 = %scan3A_8 to %scan3A_10 step %scan3A_11  : i32 {
      %mul3A_37 = arith.constant 2 : i32
      %mul3A_38 = arith.muli %scan3A_36, %mul3A_37 : i32
      %dma_wait3A_39 = arith.constant 0 : i32
      %dma_wait3A_40 = tpu.memref_slice %arg3[%dma_wait3A_39] : memref<802816xi32, #tpu.memory_space<hbm>> -> memref<3136xi32, #tpu.memory_space<hbm>>
      %dma_wait3A_41 = arith.constant 0 : i32
      %dma_wait3A_42 = tpu.memref_slice %arg3[%dma_wait3A_41] : memref<802816xi32, #tpu.memory_space<hbm>> -> memref<3136xi32, #tpu.memory_space<hbm>>
      tpu.wait_dma2 semaphore(%arg15 : memref<!tpu.dma_semaphore, #tpu.memory_space<semaphore_mem>>) src(%dma_wait3A_42 : memref<3136xi32, #tpu.memory_space<hbm>>) dst(%arg7 : memref<3136xi32, #tpu.memory_space<vmem>>)
      %dma_wait3A_43 = arith.constant 0 : i32
      %dma_wait3A_44 = tpu.memref_slice %arg4[%dma_wait3A_43] : memref<802816xi32, #tpu.memory_space<hbm>> -> memref<3136xi32, #tpu.memory_space<hbm>>
      %dma_wait3A_45 = arith.constant 0 : i32
      %dma_wait3A_46 = tpu.memref_slice %arg4[%dma_wait3A_45] : memref<802816xi32, #tpu.memory_space<hbm>> -> memref<3136xi32, #tpu.memory_space<hbm>>
      tpu.wait_dma2 semaphore(%arg15 : memref<!tpu.dma_semaphore, #tpu.memory_space<semaphore_mem>>) src(%dma_wait3A_46 : memref<3136xi32, #tpu.memory_space<hbm>>) dst(%arg8 : memref<3136xi32, #tpu.memory_space<vmem>>)
      %add3A_47 = arith.constant 1 : i32
      %add3A_48 = arith.addi %mul3A_38, %add3A_47 : i32
      %mul3A_49 = arith.constant 3136 : i32
      %mul3A_50 = arith.muli %add3A_48, %mul3A_49 : i32
      %add3A_51 = arith.addi %mul3A_2, %mul3A_50 : i32
      %dma_start3A_52 = tpu.memref_slice %arg3[%add3A_51] : memref<802816xi32, #tpu.memory_space<hbm>> -> memref<3136xi32, #tpu.memory_space<hbm>>
      %dma_start3A_53 = tpu.memref_slice %arg3[%add3A_51] : memref<802816xi32, #tpu.memory_space<hbm>> -> memref<3136xi32, #tpu.memory_space<hbm>>
      tpu.enqueue_dma source(%dma_start3A_53 : memref<3136xi32, #tpu.memory_space<hbm>>) target(%arg11 : memref<3136xi32, #tpu.memory_space<vmem>>) target_semaphore(%arg15 : memref<!tpu.dma_semaphore, #tpu.memory_space<semaphore_mem>>)
      %dma_start3A_54 = tpu.memref_slice %arg4[%add3A_51] : memref<802816xi32, #tpu.memory_space<hbm>> -> memref<3136xi32, #tpu.memory_space<hbm>>
      %dma_start3A_55 = tpu.memref_slice %arg4[%add3A_51] : memref<802816xi32, #tpu.memory_space<hbm>> -> memref<3136xi32, #tpu.memory_space<hbm>>
      tpu.enqueue_dma source(%dma_start3A_55 : memref<3136xi32, #tpu.memory_space<hbm>>) target(%arg12 : memref<3136xi32, #tpu.memory_space<vmem>>) target_semaphore(%arg15 : memref<!tpu.dma_semaphore, #tpu.memory_space<semaphore_mem>>)
      %gt3A = arith.constant 0 : i32
      %gt3A_56 = arith.cmpi sgt, %scan3A_36, %gt3A : i32
      %convert_element_type3A = arith.extui %gt3A_56 : i1 to i32
      %cond3A = arith.constant 0 : i32
      %cond3A_57 = arith.cmpi ne, %convert_element_type3A, %cond3A : i32
      scf.if %cond3A_57 {
        %dma_wait3A_125 = arith.constant 0 : i32
        %dma_wait3A_126 = arith.constant 0 : i32
        %dma_wait3A_127 = tpu.memref_slice %arg5[%dma_wait3A_125, %dma_wait3A_126] : memref<802816x8xf32, #tpu.memory_space<hbm>> -> memref<3136x8xf32, #tpu.memory_space<hbm>>
        %dma_wait3A_128 = arith.constant 0 : i32
        %dma_wait3A_129 = arith.constant 0 : i32
        %dma_wait3A_130 = tpu.memref_slice %arg5[%dma_wait3A_128, %dma_wait3A_129] : memref<802816x8xf32, #tpu.memory_space<hbm>> -> memref<3136x8xf32, #tpu.memory_space<hbm>>
        tpu.wait_dma2 semaphore(%arg17 : memref<!tpu.dma_semaphore, #tpu.memory_space<semaphore_mem>>) src(%arg9 : memref<3136x8xf32, #tpu.memory_space<vmem>>) dst(%dma_wait3A_130 : memref<3136x8xf32, #tpu.memory_space<hbm>>)
        %dma_wait3A_131 = arith.constant 0 : i32
        %dma_wait3A_132 = arith.constant 0 : i32
        %dma_wait3A_133 = tpu.memref_slice %arg6[%dma_wait3A_131, %dma_wait3A_132] : memref<802816x8xf32, #tpu.memory_space<hbm>> -> memref<3136x8xf32, #tpu.memory_space<hbm>>
        %dma_wait3A_134 = arith.constant 0 : i32
        %dma_wait3A_135 = arith.constant 0 : i32
        %dma_wait3A_136 = tpu.memref_slice %arg6[%dma_wait3A_134, %dma_wait3A_135] : memref<802816x8xf32, #tpu.memory_space<hbm>> -> memref<3136x8xf32, #tpu.memory_space<hbm>>
        tpu.wait_dma2 semaphore(%arg17 : memref<!tpu.dma_semaphore, #tpu.memory_space<semaphore_mem>>) src(%arg10 : memref<3136x8xf32, #tpu.memory_space<vmem>>) dst(%dma_wait3A_136 : memref<3136x8xf32, #tpu.memory_space<hbm>>)
      } else {
      }
      %dma_start3A_58 = arith.constant 0 : i32
      %dma_start3A_59 = arith.constant 0 : i32
      %dma_start3A_60 = tpu.memref_slice %arg2[%dma_start3A_58, %dma_start3A_59] : memref<50000x8xf32, #tpu.memory_space<hbm>> -> memref<50000x8xf32, #tpu.memory_space<hbm>>
      tpu.enqueue_indirect_dma source(%dma_start3A_60 : memref<50000x8xf32, #tpu.memory_space<hbm>>) target(%arg9 : memref<3136x8xf32, #tpu.memory_space<vmem>>) offsets(%arg7 : memref<3136xi32, #tpu.memory_space<vmem>>) semaphore(%arg16 : memref<!tpu.dma_semaphore, #tpu.memory_space<semaphore_mem>>)
      %dma_start3A_61 = arith.constant 0 : i32
      %dma_start3A_62 = arith.constant 0 : i32
      %dma_start3A_63 = tpu.memref_slice %arg2[%dma_start3A_61, %dma_start3A_62] : memref<50000x8xf32, #tpu.memory_space<hbm>> -> memref<50000x8xf32, #tpu.memory_space<hbm>>
      tpu.enqueue_indirect_dma source(%dma_start3A_63 : memref<50000x8xf32, #tpu.memory_space<hbm>>) target(%arg10 : memref<3136x8xf32, #tpu.memory_space<vmem>>) offsets(%arg8 : memref<3136xi32, #tpu.memory_space<vmem>>) semaphore(%arg16 : memref<!tpu.dma_semaphore, #tpu.memory_space<semaphore_mem>>)
      %dma_wait3A_64 = arith.constant 0 : i32
      %dma_wait3A_65 = tpu.memref_slice %arg3[%dma_wait3A_64] : memref<802816xi32, #tpu.memory_space<hbm>> -> memref<3136xi32, #tpu.memory_space<hbm>>
      %dma_wait3A_66 = arith.constant 0 : i32
      %dma_wait3A_67 = tpu.memref_slice %arg3[%dma_wait3A_66] : memref<802816xi32, #tpu.memory_space<hbm>> -> memref<3136xi32, #tpu.memory_space<hbm>>
      tpu.wait_dma2 semaphore(%arg15 : memref<!tpu.dma_semaphore, #tpu.memory_space<semaphore_mem>>) src(%dma_wait3A_67 : memref<3136xi32, #tpu.memory_space<hbm>>) dst(%arg11 : memref<3136xi32, #tpu.memory_space<vmem>>)
      %dma_wait3A_68 = arith.constant 0 : i32
      %dma_wait3A_69 = tpu.memref_slice %arg4[%dma_wait3A_68] : memref<802816xi32, #tpu.memory_space<hbm>> -> memref<3136xi32, #tpu.memory_space<hbm>>
      %dma_wait3A_70 = arith.constant 0 : i32
      %dma_wait3A_71 = tpu.memref_slice %arg4[%dma_wait3A_70] : memref<802816xi32, #tpu.memory_space<hbm>> -> memref<3136xi32, #tpu.memory_space<hbm>>
      tpu.wait_dma2 semaphore(%arg15 : memref<!tpu.dma_semaphore, #tpu.memory_space<semaphore_mem>>) src(%dma_wait3A_71 : memref<3136xi32, #tpu.memory_space<hbm>>) dst(%arg12 : memref<3136xi32, #tpu.memory_space<vmem>>)
      %dma_wait3A_72 = arith.constant 0 : i32
      %dma_wait3A_73 = arith.constant 0 : i32
      %dma_wait3A_74 = tpu.memref_slice %arg2[%dma_wait3A_72, %dma_wait3A_73] : memref<50000x8xf32, #tpu.memory_space<hbm>> -> memref<50000x8xf32, #tpu.memory_space<hbm>>
      tpu.wait_indirect_dma semaphore(%arg16 : memref<!tpu.dma_semaphore, #tpu.memory_space<semaphore_mem>>) src(%dma_wait3A_74 : memref<50000x8xf32, #tpu.memory_space<hbm>>) dst(%arg9 : memref<3136x8xf32, #tpu.memory_space<vmem>>)
      %dma_wait3A_75 = arith.constant 0 : i32
      %dma_wait3A_76 = arith.constant 0 : i32
      %dma_wait3A_77 = tpu.memref_slice %arg2[%dma_wait3A_75, %dma_wait3A_76] : memref<50000x8xf32, #tpu.memory_space<hbm>> -> memref<50000x8xf32, #tpu.memory_space<hbm>>
      tpu.wait_indirect_dma semaphore(%arg16 : memref<!tpu.dma_semaphore, #tpu.memory_space<semaphore_mem>>) src(%dma_wait3A_77 : memref<50000x8xf32, #tpu.memory_space<hbm>>) dst(%arg10 : memref<3136x8xf32, #tpu.memory_space<vmem>>)
      %mul3A_78 = arith.constant 3136 : i32
      %mul3A_79 = arith.muli %mul3A_38, %mul3A_78 : i32
      %add3A_80 = arith.addi %mul3A_2, %mul3A_79 : i32
      %dma_start3A_81 = arith.constant 0 : i32
      %dma_start3A_82 = tpu.memref_slice %arg5[%add3A_80, %dma_start3A_81] : memref<802816x8xf32, #tpu.memory_space<hbm>> -> memref<3136x8xf32, #tpu.memory_space<hbm>>
      %dma_start3A_83 = arith.constant 0 : i32
      %dma_start3A_84 = tpu.memref_slice %arg5[%add3A_80, %dma_start3A_83] : memref<802816x8xf32, #tpu.memory_space<hbm>> -> memref<3136x8xf32, #tpu.memory_space<hbm>>
      tpu.enqueue_dma source(%arg9 : memref<3136x8xf32, #tpu.memory_space<vmem>>) target(%dma_start3A_84 : memref<3136x8xf32, #tpu.memory_space<hbm>>) target_semaphore(%arg17 : memref<!tpu.dma_semaphore, #tpu.memory_space<semaphore_mem>>)
      %dma_start3A_85 = arith.constant 0 : i32
      %dma_start3A_86 = tpu.memref_slice %arg6[%add3A_80, %dma_start3A_85] : memref<802816x8xf32, #tpu.memory_space<hbm>> -> memref<3136x8xf32, #tpu.memory_space<hbm>>
      %dma_start3A_87 = arith.constant 0 : i32
      %dma_start3A_88 = tpu.memref_slice %arg6[%add3A_80, %dma_start3A_87] : memref<802816x8xf32, #tpu.memory_space<hbm>> -> memref<3136x8xf32, #tpu.memory_space<hbm>>
      tpu.enqueue_dma source(%arg10 : memref<3136x8xf32, #tpu.memory_space<vmem>>) target(%dma_start3A_88 : memref<3136x8xf32, #tpu.memory_space<hbm>>) target_semaphore(%arg17 : memref<!tpu.dma_semaphore, #tpu.memory_space<semaphore_mem>>)
      %gt3A_89 = arith.constant 0 : i32
      %gt3A_90 = arith.cmpi sgt, %scan3A_36, %gt3A_89 : i32
      %convert_element_type3A_91 = arith.extui %gt3A_90 : i1 to i32
      %cond3A_92 = arith.constant 0 : i32
      %cond3A_93 = arith.cmpi ne, %convert_element_type3A_91, %cond3A_92 : i32
      scf.if %cond3A_93 {
        %dma_wait3A_125 = arith.constant 0 : i32
        %dma_wait3A_126 = arith.constant 0 : i32
        %dma_wait3A_127 = tpu.memref_slice %arg5[%dma_wait3A_125, %dma_wait3A_126] : memref<802816x8xf32, #tpu.memory_space<hbm>> -> memref<3136x8xf32, #tpu.memory_space<hbm>>
        %dma_wait3A_128 = arith.constant 0 : i32
        %dma_wait3A_129 = arith.constant 0 : i32
        %dma_wait3A_130 = tpu.memref_slice %arg5[%dma_wait3A_128, %dma_wait3A_129] : memref<802816x8xf32, #tpu.memory_space<hbm>> -> memref<3136x8xf32, #tpu.memory_space<hbm>>
        tpu.wait_dma2 semaphore(%arg17 : memref<!tpu.dma_semaphore, #tpu.memory_space<semaphore_mem>>) src(%arg13 : memref<3136x8xf32, #tpu.memory_space<vmem>>) dst(%dma_wait3A_130 : memref<3136x8xf32, #tpu.memory_space<hbm>>)
        %dma_wait3A_131 = arith.constant 0 : i32
        %dma_wait3A_132 = arith.constant 0 : i32
        %dma_wait3A_133 = tpu.memref_slice %arg6[%dma_wait3A_131, %dma_wait3A_132] : memref<802816x8xf32, #tpu.memory_space<hbm>> -> memref<3136x8xf32, #tpu.memory_space<hbm>>
        %dma_wait3A_134 = arith.constant 0 : i32
        %dma_wait3A_135 = arith.constant 0 : i32
        %dma_wait3A_136 = tpu.memref_slice %arg6[%dma_wait3A_134, %dma_wait3A_135] : memref<802816x8xf32, #tpu.memory_space<hbm>> -> memref<3136x8xf32, #tpu.memory_space<hbm>>
        tpu.wait_dma2 semaphore(%arg17 : memref<!tpu.dma_semaphore, #tpu.memory_space<semaphore_mem>>) src(%arg14 : memref<3136x8xf32, #tpu.memory_space<vmem>>) dst(%dma_wait3A_136 : memref<3136x8xf32, #tpu.memory_space<hbm>>)
      } else {
      }
      %dma_start3A_94 = arith.constant 0 : i32
      %dma_start3A_95 = arith.constant 0 : i32
      %dma_start3A_96 = tpu.memref_slice %arg2[%dma_start3A_94, %dma_start3A_95] : memref<50000x8xf32, #tpu.memory_space<hbm>> -> memref<50000x8xf32, #tpu.memory_space<hbm>>
      tpu.enqueue_indirect_dma source(%dma_start3A_96 : memref<50000x8xf32, #tpu.memory_space<hbm>>) target(%arg13 : memref<3136x8xf32, #tpu.memory_space<vmem>>) offsets(%arg11 : memref<3136xi32, #tpu.memory_space<vmem>>) semaphore(%arg16 : memref<!tpu.dma_semaphore, #tpu.memory_space<semaphore_mem>>)
      %dma_start3A_97 = arith.constant 0 : i32
      %dma_start3A_98 = arith.constant 0 : i32
      %dma_start3A_99 = tpu.memref_slice %arg2[%dma_start3A_97, %dma_start3A_98] : memref<50000x8xf32, #tpu.memory_space<hbm>> -> memref<50000x8xf32, #tpu.memory_space<hbm>>
      tpu.enqueue_indirect_dma source(%dma_start3A_99 : memref<50000x8xf32, #tpu.memory_space<hbm>>) target(%arg14 : memref<3136x8xf32, #tpu.memory_space<vmem>>) offsets(%arg12 : memref<3136xi32, #tpu.memory_space<vmem>>) semaphore(%arg16 : memref<!tpu.dma_semaphore, #tpu.memory_space<semaphore_mem>>)
      %add3A_100 = arith.constant 1 : i32
      %add3A_101 = arith.addi %scan3A_36, %add3A_100 : i32
      %lt3A = arith.constant 4 : i32
      %lt3A_102 = arith.cmpi slt, %add3A_101, %lt3A : i32
      %convert_element_type3A_103 = arith.extui %lt3A_102 : i1 to i32
      %cond3A_104 = arith.constant 0 : i32
      %cond3A_105 = arith.cmpi ne, %convert_element_type3A_103, %cond3A_104 : i32
      scf.if %cond3A_105 {
        %add3A_125 = arith.constant 2 : i32
        %add3A_126 = arith.addi %mul3A_38, %add3A_125 : i32
        %mul3A_127 = arith.constant 3136 : i32
        %mul3A_128 = arith.muli %add3A_126, %mul3A_127 : i32
        %add3A_129 = arith.addi %mul3A_2, %mul3A_128 : i32
        %dma_start3A_130 = tpu.memref_slice %arg3[%add3A_129] : memref<802816xi32, #tpu.memory_space<hbm>> -> memref<3136xi32, #tpu.memory_space<hbm>>
        %dma_start3A_131 = tpu.memref_slice %arg3[%add3A_129] : memref<802816xi32, #tpu.memory_space<hbm>> -> memref<3136xi32, #tpu.memory_space<hbm>>
        tpu.enqueue_dma source(%dma_start3A_131 : memref<3136xi32, #tpu.memory_space<hbm>>) target(%arg7 : memref<3136xi32, #tpu.memory_space<vmem>>) target_semaphore(%arg15 : memref<!tpu.dma_semaphore, #tpu.memory_space<semaphore_mem>>)
        %dma_start3A_132 = tpu.memref_slice %arg4[%add3A_129] : memref<802816xi32, #tpu.memory_space<hbm>> -> memref<3136xi32, #tpu.memory_space<hbm>>
        %dma_start3A_133 = tpu.memref_slice %arg4[%add3A_129] : memref<802816xi32, #tpu.memory_space<hbm>> -> memref<3136xi32, #tpu.memory_space<hbm>>
        tpu.enqueue_dma source(%dma_start3A_133 : memref<3136xi32, #tpu.memory_space<hbm>>) target(%arg8 : memref<3136xi32, #tpu.memory_space<vmem>>) target_semaphore(%arg15 : memref<!tpu.dma_semaphore, #tpu.memory_space<semaphore_mem>>)
      } else {
      }
      %dma_wait3A_106 = arith.constant 0 : i32
      %dma_wait3A_107 = arith.constant 0 : i32
      %dma_wait3A_108 = tpu.memref_slice %arg2[%dma_wait3A_106, %dma_wait3A_107] : memref<50000x8xf32, #tpu.memory_space<hbm>> -> memref<50000x8xf32, #tpu.memory_space<hbm>>
      tpu.wait_indirect_dma semaphore(%arg16 : memref<!tpu.dma_semaphore, #tpu.memory_space<semaphore_mem>>) src(%dma_wait3A_108 : memref<50000x8xf32, #tpu.memory_space<hbm>>) dst(%arg13 : memref<3136x8xf32, #tpu.memory_space<vmem>>)
      %dma_wait3A_109 = arith.constant 0 : i32
      %dma_wait3A_110 = arith.constant 0 : i32
      %dma_wait3A_111 = tpu.memref_slice %arg2[%dma_wait3A_109, %dma_wait3A_110] : memref<50000x8xf32, #tpu.memory_space<hbm>> -> memref<50000x8xf32, #tpu.memory_space<hbm>>
      tpu.wait_indirect_dma semaphore(%arg16 : memref<!tpu.dma_semaphore, #tpu.memory_space<semaphore_mem>>) src(%dma_wait3A_111 : memref<50000x8xf32, #tpu.memory_space<hbm>>) dst(%arg14 : memref<3136x8xf32, #tpu.memory_space<vmem>>)
      %add3A_112 = arith.constant 1 : i32
      %add3A_113 = arith.addi %mul3A_38, %add3A_112 : i32
      %mul3A_114 = arith.constant 3136 : i32
      %mul3A_115 = arith.muli %add3A_113, %mul3A_114 : i32
      %add3A_116 = arith.addi %mul3A_2, %mul3A_115 : i32
      %dma_start3A_117 = arith.constant 0 : i32
      %dma_start3A_118 = tpu.memref_slice %arg5[%add3A_116, %dma_start3A_117] : memref<802816x8xf32, #tpu.memory_space<hbm>> -> memref<3136x8xf32, #tpu.memory_space<hbm>>
      %dma_start3A_119 = arith.constant 0 : i32
      %dma_start3A_120 = tpu.memref_slice %arg5[%add3A_116, %dma_start3A_119] : memref<802816x8xf32, #tpu.memory_space<hbm>> -> memref<3136x8xf32, #tpu.memory_space<hbm>>
      tpu.enqueue_dma source(%arg13 : memref<3136x8xf32, #tpu.memory_space<vmem>>) target(%dma_start3A_120 : memref<3136x8xf32, #tpu.memory_space<hbm>>) target_semaphore(%arg17 : memref<!tpu.dma_semaphore, #tpu.memory_space<semaphore_mem>>)
      %dma_start3A_121 = arith.constant 0 : i32
      %dma_start3A_122 = tpu.memref_slice %arg6[%add3A_116, %dma_start3A_121] : memref<802816x8xf32, #tpu.memory_space<hbm>> -> memref<3136x8xf32, #tpu.memory_space<hbm>>
      %dma_start3A_123 = arith.constant 0 : i32
      %dma_start3A_124 = tpu.memref_slice %arg6[%add3A_116, %dma_start3A_123] : memref<802816x8xf32, #tpu.memory_space<hbm>> -> memref<3136x8xf32, #tpu.memory_space<hbm>>
      tpu.enqueue_dma source(%arg14 : memref<3136x8xf32, #tpu.memory_space<vmem>>) target(%dma_start3A_124 : memref<3136x8xf32, #tpu.memory_space<hbm>>) target_semaphore(%arg17 : memref<!tpu.dma_semaphore, #tpu.memory_space<semaphore_mem>>)
    }
    %scan3A_12 = arith.constant 4 : i32
    %dma_wait3A = arith.constant 0 : i32
    %dma_wait3A_13 = arith.constant 0 : i32
    %dma_wait3A_14 = tpu.memref_slice %arg5[%dma_wait3A, %dma_wait3A_13] : memref<802816x8xf32, #tpu.memory_space<hbm>> -> memref<3136x8xf32, #tpu.memory_space<hbm>>
    %dma_wait3A_15 = arith.constant 0 : i32
    %dma_wait3A_16 = arith.constant 0 : i32
    %dma_wait3A_17 = tpu.memref_slice %arg5[%dma_wait3A_15, %dma_wait3A_16] : memref<802816x8xf32, #tpu.memory_space<hbm>> -> memref<3136x8xf32, #tpu.memory_space<hbm>>
    tpu.wait_dma2 semaphore(%arg17 : memref<!tpu.dma_semaphore, #tpu.memory_space<semaphore_mem>>) src(%arg9 : memref<3136x8xf32, #tpu.memory_space<vmem>>) dst(%dma_wait3A_17 : memref<3136x8xf32, #tpu.memory_space<hbm>>)
    %dma_wait3A_18 = arith.constant 0 : i32
    %dma_wait3A_19 = arith.constant 0 : i32
    %dma_wait3A_20 = tpu.memref_slice %arg6[%dma_wait3A_18, %dma_wait3A_19] : memref<802816x8xf32, #tpu.memory_space<hbm>> -> memref<3136x8xf32, #tpu.memory_space<hbm>>
    %dma_wait3A_21 = arith.constant 0 : i32
    %dma_wait3A_22 = arith.constant 0 : i32
    %dma_wait3A_23 = tpu.memref_slice %arg6[%dma_wait3A_21, %dma_wait3A_22] : memref<802816x8xf32, #tpu.memory_space<hbm>> -> memref<3136x8xf32, #tpu.memory_space<hbm>>
    tpu.wait_dma2 semaphore(%arg17 : memref<!tpu.dma_semaphore, #tpu.memory_space<semaphore_mem>>) src(%arg10 : memref<3136x8xf32, #tpu.memory_space<vmem>>) dst(%dma_wait3A_23 : memref<3136x8xf32, #tpu.memory_space<hbm>>)
    %dma_wait3A_24 = arith.constant 0 : i32
    %dma_wait3A_25 = arith.constant 0 : i32
    %dma_wait3A_26 = tpu.memref_slice %arg5[%dma_wait3A_24, %dma_wait3A_25] : memref<802816x8xf32, #tpu.memory_space<hbm>> -> memref<3136x8xf32, #tpu.memory_space<hbm>>
    %dma_wait3A_27 = arith.constant 0 : i32
    %dma_wait3A_28 = arith.constant 0 : i32
    %dma_wait3A_29 = tpu.memref_slice %arg5[%dma_wait3A_27, %dma_wait3A_28] : memref<802816x8xf32, #tpu.memory_space<hbm>> -> memref<3136x8xf32, #tpu.memory_space<hbm>>
    tpu.wait_dma2 semaphore(%arg17 : memref<!tpu.dma_semaphore, #tpu.memory_space<semaphore_mem>>) src(%arg13 : memref<3136x8xf32, #tpu.memory_space<vmem>>) dst(%dma_wait3A_29 : memref<3136x8xf32, #tpu.memory_space<hbm>>)
    %dma_wait3A_30 = arith.constant 0 : i32
    %dma_wait3A_31 = arith.constant 0 : i32
    %dma_wait3A_32 = tpu.memref_slice %arg6[%dma_wait3A_30, %dma_wait3A_31] : memref<802816x8xf32, #tpu.memory_space<hbm>> -> memref<3136x8xf32, #tpu.memory_space<hbm>>
    %dma_wait3A_33 = arith.constant 0 : i32
    %dma_wait3A_34 = arith.constant 0 : i32
    %dma_wait3A_35 = tpu.memref_slice %arg6[%dma_wait3A_33, %dma_wait3A_34] : memref<802816x8xf32, #tpu.memory_space<hbm>> -> memref<3136x8xf32, #tpu.memory_space<hbm>>
    tpu.wait_dma2 semaphore(%arg17 : memref<!tpu.dma_semaphore, #tpu.memory_space<semaphore_mem>>) src(%arg14 : memref<3136x8xf32, #tpu.memory_space<vmem>>) dst(%dma_wait3A_35 : memref<3136x8xf32, #tpu.memory_space<hbm>>)
    return
  }
}

#map = affine_map<(d0, d1) -> (0, 0)>
#map1 = affine_map<(d0, d1) -> (0)>
module attributes {stable_mosaic.version = 14 : i64} {
  func.func @_scatter_body(%arg0: i32, %arg1: i32, %arg2: memref<802816x128xf32, #tpu.memory_space<hbm>>, %arg3: memref<802816xi32, #tpu.memory_space<hbm>>, %arg4: memref<3125x32xf32, #tpu.memory_space<hbm>>, %arg5: memref<50000x128xf32, #tpu.memory_space<hbm>>, %arg6: memref<50008x32xf32, #tpu.memory_space<vmem_shared>>, %arg7: memref<256xi32, #tpu.memory_space<vmem>>, %arg8: memref<256x32xf32, #tpu.memory_space<vmem>>, %arg9: memref<256xi32, #tpu.memory_space<vmem>>, %arg10: memref<256x32xf32, #tpu.memory_space<vmem>>, %arg11: memref<!tpu.dma_semaphore, #tpu.memory_space<semaphore_mem>>, %arg12: memref<!tpu.dma_semaphore, #tpu.memory_space<semaphore_mem>>) attributes {dimension_semantics = [#tpu.dimension_semantics<core_parallel>, #tpu.dimension_semantics<subcore_parallel>], iteration_bounds = array<i64: 2, 16>, scalar_prefetch = 0 : i64, scratch_operands = 7 : i64, tpu.core_type = #tpu.core_type<sc_vector_subcore>, window_params = [{transform_indices = #map}, {transform_indices = #map1}, {transform_indices = #map}, {transform_indices = #map}]} {
    %eq3A = arith.constant 0 : i32
    %eq3A_0 = arith.cmpi eq, %arg0, %eq3A : i32
    %convert_element_type3A = arith.extui %eq3A_0 : i1 to i32
    %cond3A = arith.constant 0 : i32
    %cond3A_1 = arith.cmpi ne, %convert_element_type3A, %cond3A : i32
    scf.if %cond3A_1 {
      %mul3A = arith.constant 3125 : i32
      %mul3A_7 = arith.muli %arg1, %mul3A : i32
      "tpu.region"() ({
        %run_scoped3A = tpu.sem_alloc : memref<!tpu.dma_semaphore, #tpu.memory_space<semaphore_mem>>
        %dma_start3A_57 = arith.constant 0 : i32
        %dma_start3A_58 = tpu.memref_slice %arg6[%mul3A_7, %dma_start3A_57] : memref<50008x32xf32, #tpu.memory_space<vmem_shared>> -> memref<3125x32xf32, #tpu.memory_space<vmem_shared>>
        tpu.enqueue_dma source(%arg4 : memref<3125x32xf32, #tpu.memory_space<hbm>>) target(%dma_start3A_58 : memref<3125x32xf32, #tpu.memory_space<vmem_shared>>) target_semaphore(%run_scoped3A : memref<!tpu.dma_semaphore, #tpu.memory_space<semaphore_mem>>)
        %dma_wait3A_59 = arith.constant 0 : i32
        %dma_wait3A_60 = tpu.memref_slice %arg6[%mul3A_7, %dma_wait3A_59] : memref<50008x32xf32, #tpu.memory_space<vmem_shared>> -> memref<3125x32xf32, #tpu.memory_space<vmem_shared>>
        tpu.wait_dma2 semaphore(%run_scoped3A : memref<!tpu.dma_semaphore, #tpu.memory_space<semaphore_mem>>) src(%arg4 : memref<3125x32xf32, #tpu.memory_space<hbm>>) dst(%dma_wait3A_60 : memref<3125x32xf32, #tpu.memory_space<vmem_shared>>)
        tpu.yield
      }) : () -> ()
      %barrier3A = arith.constant 0 : index
      tpu.barrier barrier_id(%barrier3A)
      %mul3A_8 = arith.constant 50176 : i32
      %mul3A_9 = arith.muli %arg1, %mul3A_8 : i32
      %add3A = arith.constant 0 : i32
      %add3A_10 = arith.addi %mul3A_9, %add3A : i32
      %dma_start3A = tpu.memref_slice %arg3[%add3A_10] : memref<802816xi32, #tpu.memory_space<hbm>> -> memref<256xi32, #tpu.memory_space<hbm>>
      %dma_start3A_11 = tpu.memref_slice %arg3[%add3A_10] : memref<802816xi32, #tpu.memory_space<hbm>> -> memref<256xi32, #tpu.memory_space<hbm>>
      tpu.enqueue_dma source(%dma_start3A_11 : memref<256xi32, #tpu.memory_space<hbm>>) target(%arg7 : memref<256xi32, #tpu.memory_space<vmem>>) target_semaphore(%arg11 : memref<!tpu.dma_semaphore, #tpu.memory_space<semaphore_mem>>)
      %dma_start3A_12 = arith.constant 0 : i32
      %dma_start3A_13 = tpu.memref_slice %arg2[%add3A_10, %dma_start3A_12] : memref<802816x128xf32, #tpu.memory_space<hbm>> -> memref<256x32xf32, #tpu.memory_space<hbm>>
      %dma_start3A_14 = arith.constant 0 : i32
      %dma_start3A_15 = tpu.memref_slice %arg2[%add3A_10, %dma_start3A_14] : memref<802816x128xf32, #tpu.memory_space<hbm>> -> memref<256x32xf32, #tpu.memory_space<hbm>>
      tpu.enqueue_dma source(%dma_start3A_15 : memref<256x32xf32, #tpu.memory_space<hbm>>) target(%arg8 : memref<256x32xf32, #tpu.memory_space<vmem>>) target_semaphore(%arg11 : memref<!tpu.dma_semaphore, #tpu.memory_space<semaphore_mem>>)
      %scan3A = arith.constant 0 : i32
      %scan3A_16 = arith.constant 0 : i32
      %scan3A_17 = arith.constant 98 : i32
      %scan3A_18 = arith.addi %scan3A_16, %scan3A_17 : i32
      %scan3A_19 = arith.constant 1 : i32
      scf.for %scan3A_57 = %scan3A_16 to %scan3A_18 step %scan3A_19  : i32 {
        %mul3A_58 = arith.constant 2 : i32
        %mul3A_59 = arith.muli %scan3A_57, %mul3A_58 : i32
        %gt3A = arith.constant 0 : i32
        %gt3A_60 = arith.cmpi sgt, %scan3A_57, %gt3A : i32
        %convert_element_type3A_61 = arith.extui %gt3A_60 : i1 to i32
        %cond3A_62 = arith.constant 0 : i32
        %cond3A_63 = arith.cmpi ne, %convert_element_type3A_61, %cond3A_62 : i32
        scf.if %cond3A_63 {
          %dma_wait3A_112 = arith.constant 0 : i32
          %dma_wait3A_113 = arith.constant 0 : i32
          %dma_wait3A_114 = tpu.memref_slice %arg6[%dma_wait3A_112, %dma_wait3A_113] : memref<50008x32xf32, #tpu.memory_space<vmem_shared>> -> memref<50008x32xf32, #tpu.memory_space<vmem_shared>>
          tpu.wait_indirect_dma semaphore(%arg12 : memref<!tpu.dma_semaphore, #tpu.memory_space<semaphore_mem>>) src(%arg10 : memref<256x32xf32, #tpu.memory_space<vmem>>) dst(%dma_wait3A_114 : memref<50008x32xf32, #tpu.memory_space<vmem_shared>>)
        } else {
        }
        %add3A_64 = arith.constant 1 : i32
        %add3A_65 = arith.addi %mul3A_59, %add3A_64 : i32
        %mul3A_66 = arith.constant 50176 : i32
        %mul3A_67 = arith.muli %arg1, %mul3A_66 : i32
        %mul3A_68 = arith.constant 256 : i32
        %mul3A_69 = arith.muli %add3A_65, %mul3A_68 : i32
        %add3A_70 = arith.addi %mul3A_67, %mul3A_69 : i32
        %dma_start3A_71 = tpu.memref_slice %arg3[%add3A_70] : memref<802816xi32, #tpu.memory_space<hbm>> -> memref<256xi32, #tpu.memory_space<hbm>>
        %dma_start3A_72 = tpu.memref_slice %arg3[%add3A_70] : memref<802816xi32, #tpu.memory_space<hbm>> -> memref<256xi32, #tpu.memory_space<hbm>>
        tpu.enqueue_dma source(%dma_start3A_72 : memref<256xi32, #tpu.memory_space<hbm>>) target(%arg9 : memref<256xi32, #tpu.memory_space<vmem>>) target_semaphore(%arg11 : memref<!tpu.dma_semaphore, #tpu.memory_space<semaphore_mem>>)
        %dma_start3A_73 = arith.constant 0 : i32
        %dma_start3A_74 = tpu.memref_slice %arg2[%add3A_70, %dma_start3A_73] : memref<802816x128xf32, #tpu.memory_space<hbm>> -> memref<256x32xf32, #tpu.memory_space<hbm>>
        %dma_start3A_75 = arith.constant 0 : i32
        %dma_start3A_76 = tpu.memref_slice %arg2[%add3A_70, %dma_start3A_75] : memref<802816x128xf32, #tpu.memory_space<hbm>> -> memref<256x32xf32, #tpu.memory_space<hbm>>
        tpu.enqueue_dma source(%dma_start3A_76 : memref<256x32xf32, #tpu.memory_space<hbm>>) target(%arg10 : memref<256x32xf32, #tpu.memory_space<vmem>>) target_semaphore(%arg11 : memref<!tpu.dma_semaphore, #tpu.memory_space<semaphore_mem>>)
        %dma_wait3A_77 = arith.constant 0 : i32
        %dma_wait3A_78 = tpu.memref_slice %arg3[%dma_wait3A_77] : memref<802816xi32, #tpu.memory_space<hbm>> -> memref<256xi32, #tpu.memory_space<hbm>>
        %dma_wait3A_79 = arith.constant 0 : i32
        %dma_wait3A_80 = tpu.memref_slice %arg3[%dma_wait3A_79] : memref<802816xi32, #tpu.memory_space<hbm>> -> memref<256xi32, #tpu.memory_space<hbm>>
        tpu.wait_dma2 semaphore(%arg11 : memref<!tpu.dma_semaphore, #tpu.memory_space<semaphore_mem>>) src(%dma_wait3A_80 : memref<256xi32, #tpu.memory_space<hbm>>) dst(%arg7 : memref<256xi32, #tpu.memory_space<vmem>>)
        %dma_wait3A_81 = arith.constant 0 : i32
        %dma_wait3A_82 = arith.constant 0 : i32
        %dma_wait3A_83 = tpu.memref_slice %arg2[%dma_wait3A_81, %dma_wait3A_82] : memref<802816x128xf32, #tpu.memory_space<hbm>> -> memref<256x32xf32, #tpu.memory_space<hbm>>
        %dma_wait3A_84 = arith.constant 0 : i32
        %dma_wait3A_85 = arith.constant 0 : i32
        %dma_wait3A_86 = tpu.memref_slice %arg2[%dma_wait3A_84, %dma_wait3A_85] : memref<802816x128xf32, #tpu.memory_space<hbm>> -> memref<256x32xf32, #tpu.memory_space<hbm>>
        tpu.wait_dma2 semaphore(%arg11 : memref<!tpu.dma_semaphore, #tpu.memory_space<semaphore_mem>>) src(%dma_wait3A_86 : memref<256x32xf32, #tpu.memory_space<hbm>>) dst(%arg8 : memref<256x32xf32, #tpu.memory_space<vmem>>)
        %dma_start3A_87 = arith.constant 0 : i32
        %dma_start3A_88 = arith.constant 0 : i32
        %dma_start3A_89 = tpu.memref_slice %arg6[%dma_start3A_87, %dma_start3A_88] : memref<50008x32xf32, #tpu.memory_space<vmem_shared>> -> memref<50008x32xf32, #tpu.memory_space<vmem_shared>>
        tpu.enqueue_indirect_dma source(%arg8 : memref<256x32xf32, #tpu.memory_space<vmem>>) target(%dma_start3A_89 : memref<50008x32xf32, #tpu.memory_space<vmem_shared>>) offsets(%arg7 : memref<256xi32, #tpu.memory_space<vmem>>) semaphore(%arg12 : memref<!tpu.dma_semaphore, #tpu.memory_space<semaphore_mem>>) {add = true}
        %dma_wait3A_90 = arith.constant 0 : i32
        %dma_wait3A_91 = tpu.memref_slice %arg3[%dma_wait3A_90] : memref<802816xi32, #tpu.memory_space<hbm>> -> memref<256xi32, #tpu.memory_space<hbm>>
        %dma_wait3A_92 = arith.constant 0 : i32
        %dma_wait3A_93 = tpu.memref_slice %arg3[%dma_wait3A_92] : memref<802816xi32, #tpu.memory_space<hbm>> -> memref<256xi32, #tpu.memory_space<hbm>>
        tpu.wait_dma2 semaphore(%arg11 : memref<!tpu.dma_semaphore, #tpu.memory_space<semaphore_mem>>) src(%dma_wait3A_93 : memref<256xi32, #tpu.memory_space<hbm>>) dst(%arg9 : memref<256xi32, #tpu.memory_space<vmem>>)
        %dma_wait3A_94 = arith.constant 0 : i32
        %dma_wait3A_95 = arith.constant 0 : i32
        %dma_wait3A_96 = tpu.memref_slice %arg2[%dma_wait3A_94, %dma_wait3A_95] : memref<802816x128xf32, #tpu.memory_space<hbm>> -> memref<256x32xf32, #tpu.memory_space<hbm>>
        %dma_wait3A_97 = arith.constant 0 : i32
        %dma_wait3A_98 = arith.constant 0 : i32
        %dma_wait3A_99 = tpu.memref_slice %arg2[%dma_wait3A_97, %dma_wait3A_98] : memref<802816x128xf32, #tpu.memory_space<hbm>> -> memref<256x32xf32, #tpu.memory_space<hbm>>
        tpu.wait_dma2 semaphore(%arg11 : memref<!tpu.dma_semaphore, #tpu.memory_space<semaphore_mem>>) src(%dma_wait3A_99 : memref<256x32xf32, #tpu.memory_space<hbm>>) dst(%arg10 : memref<256x32xf32, #tpu.memory_space<vmem>>)
        %dma_wait3A_100 = arith.constant 0 : i32
        %dma_wait3A_101 = arith.constant 0 : i32
        %dma_wait3A_102 = tpu.memref_slice %arg6[%dma_wait3A_100, %dma_wait3A_101] : memref<50008x32xf32, #tpu.memory_space<vmem_shared>> -> memref<50008x32xf32, #tpu.memory_space<vmem_shared>>
        tpu.wait_indirect_dma semaphore(%arg12 : memref<!tpu.dma_semaphore, #tpu.memory_space<semaphore_mem>>) src(%arg8 : memref<256x32xf32, #tpu.memory_space<vmem>>) dst(%dma_wait3A_102 : memref<50008x32xf32, #tpu.memory_space<vmem_shared>>)
        %add3A_103 = arith.constant 1 : i32
        %add3A_104 = arith.addi %scan3A_57, %add3A_103 : i32
        %lt3A = arith.constant 98 : i32
        %lt3A_105 = arith.cmpi slt, %add3A_104, %lt3A : i32
        %convert_element_type3A_106 = arith.extui %lt3A_105 : i1 to i32
        %cond3A_107 = arith.constant 0 : i32
        %cond3A_108 = arith.cmpi ne, %convert_element_type3A_106, %cond3A_107 : i32
        scf.if %cond3A_108 {
          %add3A_112 = arith.constant 2 : i32
          %add3A_113 = arith.addi %mul3A_59, %add3A_112 : i32
          %mul3A_114 = arith.constant 50176 : i32
          %mul3A_115 = arith.muli %arg1, %mul3A_114 : i32
          %mul3A_116 = arith.constant 256 : i32
          %mul3A_117 = arith.muli %add3A_113, %mul3A_116 : i32
          %add3A_118 = arith.addi %mul3A_115, %mul3A_117 : i32
          %dma_start3A_119 = tpu.memref_slice %arg3[%add3A_118] : memref<802816xi32, #tpu.memory_space<hbm>> -> memref<256xi32, #tpu.memory_space<hbm>>
          %dma_start3A_120 = tpu.memref_slice %arg3[%add3A_118] : memref<802816xi32, #tpu.memory_space<hbm>> -> memref<256xi32, #tpu.memory_space<hbm>>
          tpu.enqueue_dma source(%dma_start3A_120 : memref<256xi32, #tpu.memory_space<hbm>>) target(%arg7 : memref<256xi32, #tpu.memory_space<vmem>>) target_semaphore(%arg11 : memref<!tpu.dma_semaphore, #tpu.memory_space<semaphore_mem>>)
          %dma_start3A_121 = arith.constant 0 : i32
          %dma_start3A_122 = tpu.memref_slice %arg2[%add3A_118, %dma_start3A_121] : memref<802816x128xf32, #tpu.memory_space<hbm>> -> memref<256x32xf32, #tpu.memory_space<hbm>>
          %dma_start3A_123 = arith.constant 0 : i32
          %dma_start3A_124 = tpu.memref_slice %arg2[%add3A_118, %dma_start3A_123] : memref<802816x128xf32, #tpu.memory_space<hbm>> -> memref<256x32xf32, #tpu.memory_space<hbm>>
          tpu.enqueue_dma source(%dma_start3A_124 : memref<256x32xf32, #tpu.memory_space<hbm>>) target(%arg8 : memref<256x32xf32, #tpu.memory_space<vmem>>) target_semaphore(%arg11 : memref<!tpu.dma_semaphore, #tpu.memory_space<semaphore_mem>>)
        } else {
        }
        %dma_start3A_109 = arith.constant 0 : i32
        %dma_start3A_110 = arith.constant 0 : i32
        %dma_start3A_111 = tpu.memref_slice %arg6[%dma_start3A_109, %dma_start3A_110] : memref<50008x32xf32, #tpu.memory_space<vmem_shared>> -> memref<50008x32xf32, #tpu.memory_space<vmem_shared>>
        tpu.enqueue_indirect_dma source(%arg10 : memref<256x32xf32, #tpu.memory_space<vmem>>) target(%dma_start3A_111 : memref<50008x32xf32, #tpu.memory_space<vmem_shared>>) offsets(%arg9 : memref<256xi32, #tpu.memory_space<vmem>>) semaphore(%arg12 : memref<!tpu.dma_semaphore, #tpu.memory_space<semaphore_mem>>) {add = true}
      }
      %scan3A_20 = arith.constant 98 : i32
      %dma_wait3A = arith.constant 0 : i32
      %dma_wait3A_21 = arith.constant 0 : i32
      %dma_wait3A_22 = tpu.memref_slice %arg6[%dma_wait3A, %dma_wait3A_21] : memref<50008x32xf32, #tpu.memory_space<vmem_shared>> -> memref<50008x32xf32, #tpu.memory_space<vmem_shared>>
      tpu.wait_indirect_dma semaphore(%arg12 : memref<!tpu.dma_semaphore, #tpu.memory_space<semaphore_mem>>) src(%arg10 : memref<256x32xf32, #tpu.memory_space<vmem>>) dst(%dma_wait3A_22 : memref<50008x32xf32, #tpu.memory_space<vmem_shared>>)
      %barrier3A_23 = arith.constant 0 : index
      tpu.barrier barrier_id(%barrier3A_23)
      %mul3A_24 = arith.constant 3125 : i32
      %mul3A_25 = arith.muli %arg1, %mul3A_24 : i32
      %mul3A_26 = arith.constant 3125 : i32
      %mul3A_27 = arith.muli %arg1, %mul3A_26 : i32
      "tpu.region"() ({
        %run_scoped3A = tpu.sem_alloc : memref<!tpu.dma_semaphore, #tpu.memory_space<semaphore_mem>>
        %dma_start3A_57 = arith.constant 0 : i32
        %dma_start3A_58 = tpu.memref_slice %arg5[%mul3A_27, %dma_start3A_57] : memref<50000x128xf32, #tpu.memory_space<hbm>> -> memref<3125x32xf32, #tpu.memory_space<hbm>>
        %dma_start3A_59 = arith.constant 0 : i32
        %dma_start3A_60 = tpu.memref_slice %arg6[%mul3A_25, %dma_start3A_59] : memref<50008x32xf32, #tpu.memory_space<vmem_shared>> -> memref<3125x32xf32, #tpu.memory_space<vmem_shared>>
        tpu.enqueue_dma source(%dma_start3A_60 : memref<3125x32xf32, #tpu.memory_space<vmem_shared>>) target(%dma_start3A_58 : memref<3125x32xf32, #tpu.memory_space<hbm>>) target_semaphore(%run_scoped3A : memref<!tpu.dma_semaphore, #tpu.memory_space<semaphore_mem>>)
        %dma_wait3A_61 = arith.constant 0 : i32
        %dma_wait3A_62 = tpu.memref_slice %arg5[%mul3A_27, %dma_wait3A_61] : memref<50000x128xf32, #tpu.memory_space<hbm>> -> memref<3125x32xf32, #tpu.memory_space<hbm>>
        %dma_wait3A_63 = arith.constant 0 : i32
        %dma_wait3A_64 = tpu.memref_slice %arg6[%mul3A_25, %dma_wait3A_63] : memref<50008x32xf32, #tpu.memory_space<vmem_shared>> -> memref<3125x32xf32, #tpu.memory_space<vmem_shared>>
        tpu.wait_dma2 semaphore(%run_scoped3A : memref<!tpu.dma_semaphore, #tpu.memory_space<semaphore_mem>>) src(%dma_wait3A_64 : memref<3125x32xf32, #tpu.memory_space<vmem_shared>>) dst(%dma_wait3A_62 : memref<3125x32xf32, #tpu.memory_space<hbm>>)
        tpu.yield
      }) : () -> ()
      %barrier3A_28 = arith.constant 0 : index
      tpu.barrier barrier_id(%barrier3A_28)
      %mul3A_29 = arith.constant 3125 : i32
      %mul3A_30 = arith.muli %arg1, %mul3A_29 : i32
      "tpu.region"() ({
        %run_scoped3A = tpu.sem_alloc : memref<!tpu.dma_semaphore, #tpu.memory_space<semaphore_mem>>
        %dma_start3A_57 = arith.constant 0 : i32
        %dma_start3A_58 = tpu.memref_slice %arg6[%mul3A_30, %dma_start3A_57] : memref<50008x32xf32, #tpu.memory_space<vmem_shared>> -> memref<3125x32xf32, #tpu.memory_space<vmem_shared>>
        tpu.enqueue_dma source(%arg4 : memref<3125x32xf32, #tpu.memory_space<hbm>>) target(%dma_start3A_58 : memref<3125x32xf32, #tpu.memory_space<vmem_shared>>) target_semaphore(%run_scoped3A : memref<!tpu.dma_semaphore, #tpu.memory_space<semaphore_mem>>)
        %dma_wait3A_59 = arith.constant 0 : i32
        %dma_wait3A_60 = tpu.memref_slice %arg6[%mul3A_30, %dma_wait3A_59] : memref<50008x32xf32, #tpu.memory_space<vmem_shared>> -> memref<3125x32xf32, #tpu.memory_space<vmem_shared>>
        tpu.wait_dma2 semaphore(%run_scoped3A : memref<!tpu.dma_semaphore, #tpu.memory_space<semaphore_mem>>) src(%arg4 : memref<3125x32xf32, #tpu.memory_space<hbm>>) dst(%dma_wait3A_60 : memref<3125x32xf32, #tpu.memory_space<vmem_shared>>)
        tpu.yield
      }) : () -> ()
      %barrier3A_31 = arith.constant 0 : index
      tpu.barrier barrier_id(%barrier3A_31)
      %mul3A_32 = arith.constant 50176 : i32
      %mul3A_33 = arith.muli %arg1, %mul3A_32 : i32
      %add3A_34 = arith.constant 0 : i32
      %add3A_35 = arith.addi %mul3A_33, %add3A_34 : i32
      %dma_start3A_36 = tpu.memref_slice %arg3[%add3A_35] : memref<802816xi32, #tpu.memory_space<hbm>> -> memref<256xi32, #tpu.memory_space<hbm>>
      %dma_start3A_37 = tpu.memref_slice %arg3[%add3A_35] : memref<802816xi32, #tpu.memory_space<hbm>> -> memref<256xi32, #tpu.memory_space<hbm>>
      tpu.enqueue_dma source(%dma_start3A_37 : memref<256xi32, #tpu.memory_space<hbm>>) target(%arg7 : memref<256xi32, #tpu.memory_space<vmem>>) target_semaphore(%arg11 : memref<!tpu.dma_semaphore, #tpu.memory_space<semaphore_mem>>)
      %dma_start3A_38 = arith.constant 64 : i32
      %dma_start3A_39 = tpu.memref_slice %arg2[%add3A_35, %dma_start3A_38] : memref<802816x128xf32, #tpu.memory_space<hbm>> -> memref<256x32xf32, #tpu.memory_space<hbm>>
      %dma_start3A_40 = arith.constant 64 : i32
      %dma_start3A_41 = tpu.memref_slice %arg2[%add3A_35, %dma_start3A_40] : memref<802816x128xf32, #tpu.memory_space<hbm>> -> memref<256x32xf32, #tpu.memory_space<hbm>>
      tpu.enqueue_dma source(%dma_start3A_41 : memref<256x32xf32, #tpu.memory_space<hbm>>) target(%arg8 : memref<256x32xf32, #tpu.memory_space<vmem>>) target_semaphore(%arg11 : memref<!tpu.dma_semaphore, #tpu.memory_space<semaphore_mem>>)
      %scan3A_42 = arith.constant 0 : i32
      %scan3A_43 = arith.constant 0 : i32
      %scan3A_44 = arith.constant 98 : i32
      %scan3A_45 = arith.addi %scan3A_43, %scan3A_44 : i32
      %scan3A_46 = arith.constant 1 : i32
      scf.for %scan3A_57 = %scan3A_43 to %scan3A_45 step %scan3A_46  : i32 {
        %mul3A_58 = arith.constant 2 : i32
        %mul3A_59 = arith.muli %scan3A_57, %mul3A_58 : i32
        %gt3A = arith.constant 0 : i32
        %gt3A_60 = arith.cmpi sgt, %scan3A_57, %gt3A : i32
        %convert_element_type3A_61 = arith.extui %gt3A_60 : i1 to i32
        %cond3A_62 = arith.constant 0 : i32
        %cond3A_63 = arith.cmpi ne, %convert_element_type3A_61, %cond3A_62 : i32
        scf.if %cond3A_63 {
          %dma_wait3A_112 = arith.constant 0 : i32
          %dma_wait3A_113 = arith.constant 0 : i32
          %dma_wait3A_114 = tpu.memref_slice %arg6[%dma_wait3A_112, %dma_wait3A_113] : memref<50008x32xf32, #tpu.memory_space<vmem_shared>> -> memref<50008x32xf32, #tpu.memory_space<vmem_shared>>
          tpu.wait_indirect_dma semaphore(%arg12 : memref<!tpu.dma_semaphore, #tpu.memory_space<semaphore_mem>>) src(%arg10 : memref<256x32xf32, #tpu.memory_space<vmem>>) dst(%dma_wait3A_114 : memref<50008x32xf32, #tpu.memory_space<vmem_shared>>)
        } else {
        }
        %add3A_64 = arith.constant 1 : i32
        %add3A_65 = arith.addi %mul3A_59, %add3A_64 : i32
        %mul3A_66 = arith.constant 50176 : i32
        %mul3A_67 = arith.muli %arg1, %mul3A_66 : i32
        %mul3A_68 = arith.constant 256 : i32
        %mul3A_69 = arith.muli %add3A_65, %mul3A_68 : i32
        %add3A_70 = arith.addi %mul3A_67, %mul3A_69 : i32
        %dma_start3A_71 = tpu.memref_slice %arg3[%add3A_70] : memref<802816xi32, #tpu.memory_space<hbm>> -> memref<256xi32, #tpu.memory_space<hbm>>
        %dma_start3A_72 = tpu.memref_slice %arg3[%add3A_70] : memref<802816xi32, #tpu.memory_space<hbm>> -> memref<256xi32, #tpu.memory_space<hbm>>
        tpu.enqueue_dma source(%dma_start3A_72 : memref<256xi32, #tpu.memory_space<hbm>>) target(%arg9 : memref<256xi32, #tpu.memory_space<vmem>>) target_semaphore(%arg11 : memref<!tpu.dma_semaphore, #tpu.memory_space<semaphore_mem>>)
        %dma_start3A_73 = arith.constant 64 : i32
        %dma_start3A_74 = tpu.memref_slice %arg2[%add3A_70, %dma_start3A_73] : memref<802816x128xf32, #tpu.memory_space<hbm>> -> memref<256x32xf32, #tpu.memory_space<hbm>>
        %dma_start3A_75 = arith.constant 64 : i32
        %dma_start3A_76 = tpu.memref_slice %arg2[%add3A_70, %dma_start3A_75] : memref<802816x128xf32, #tpu.memory_space<hbm>> -> memref<256x32xf32, #tpu.memory_space<hbm>>
        tpu.enqueue_dma source(%dma_start3A_76 : memref<256x32xf32, #tpu.memory_space<hbm>>) target(%arg10 : memref<256x32xf32, #tpu.memory_space<vmem>>) target_semaphore(%arg11 : memref<!tpu.dma_semaphore, #tpu.memory_space<semaphore_mem>>)
        %dma_wait3A_77 = arith.constant 0 : i32
        %dma_wait3A_78 = tpu.memref_slice %arg3[%dma_wait3A_77] : memref<802816xi32, #tpu.memory_space<hbm>> -> memref<256xi32, #tpu.memory_space<hbm>>
        %dma_wait3A_79 = arith.constant 0 : i32
        %dma_wait3A_80 = tpu.memref_slice %arg3[%dma_wait3A_79] : memref<802816xi32, #tpu.memory_space<hbm>> -> memref<256xi32, #tpu.memory_space<hbm>>
        tpu.wait_dma2 semaphore(%arg11 : memref<!tpu.dma_semaphore, #tpu.memory_space<semaphore_mem>>) src(%dma_wait3A_80 : memref<256xi32, #tpu.memory_space<hbm>>) dst(%arg7 : memref<256xi32, #tpu.memory_space<vmem>>)
        %dma_wait3A_81 = arith.constant 0 : i32
        %dma_wait3A_82 = arith.constant 64 : i32
        %dma_wait3A_83 = tpu.memref_slice %arg2[%dma_wait3A_81, %dma_wait3A_82] : memref<802816x128xf32, #tpu.memory_space<hbm>> -> memref<256x32xf32, #tpu.memory_space<hbm>>
        %dma_wait3A_84 = arith.constant 0 : i32
        %dma_wait3A_85 = arith.constant 64 : i32
        %dma_wait3A_86 = tpu.memref_slice %arg2[%dma_wait3A_84, %dma_wait3A_85] : memref<802816x128xf32, #tpu.memory_space<hbm>> -> memref<256x32xf32, #tpu.memory_space<hbm>>
        tpu.wait_dma2 semaphore(%arg11 : memref<!tpu.dma_semaphore, #tpu.memory_space<semaphore_mem>>) src(%dma_wait3A_86 : memref<256x32xf32, #tpu.memory_space<hbm>>) dst(%arg8 : memref<256x32xf32, #tpu.memory_space<vmem>>)
        %dma_start3A_87 = arith.constant 0 : i32
        %dma_start3A_88 = arith.constant 0 : i32
        %dma_start3A_89 = tpu.memref_slice %arg6[%dma_start3A_87, %dma_start3A_88] : memref<50008x32xf32, #tpu.memory_space<vmem_shared>> -> memref<50008x32xf32, #tpu.memory_space<vmem_shared>>
        tpu.enqueue_indirect_dma source(%arg8 : memref<256x32xf32, #tpu.memory_space<vmem>>) target(%dma_start3A_89 : memref<50008x32xf32, #tpu.memory_space<vmem_shared>>) offsets(%arg7 : memref<256xi32, #tpu.memory_space<vmem>>) semaphore(%arg12 : memref<!tpu.dma_semaphore, #tpu.memory_space<semaphore_mem>>) {add = true}
        %dma_wait3A_90 = arith.constant 0 : i32
        %dma_wait3A_91 = tpu.memref_slice %arg3[%dma_wait3A_90] : memref<802816xi32, #tpu.memory_space<hbm>> -> memref<256xi32, #tpu.memory_space<hbm>>
        %dma_wait3A_92 = arith.constant 0 : i32
        %dma_wait3A_93 = tpu.memref_slice %arg3[%dma_wait3A_92] : memref<802816xi32, #tpu.memory_space<hbm>> -> memref<256xi32, #tpu.memory_space<hbm>>
        tpu.wait_dma2 semaphore(%arg11 : memref<!tpu.dma_semaphore, #tpu.memory_space<semaphore_mem>>) src(%dma_wait3A_93 : memref<256xi32, #tpu.memory_space<hbm>>) dst(%arg9 : memref<256xi32, #tpu.memory_space<vmem>>)
        %dma_wait3A_94 = arith.constant 0 : i32
        %dma_wait3A_95 = arith.constant 64 : i32
        %dma_wait3A_96 = tpu.memref_slice %arg2[%dma_wait3A_94, %dma_wait3A_95] : memref<802816x128xf32, #tpu.memory_space<hbm>> -> memref<256x32xf32, #tpu.memory_space<hbm>>
        %dma_wait3A_97 = arith.constant 0 : i32
        %dma_wait3A_98 = arith.constant 64 : i32
        %dma_wait3A_99 = tpu.memref_slice %arg2[%dma_wait3A_97, %dma_wait3A_98] : memref<802816x128xf32, #tpu.memory_space<hbm>> -> memref<256x32xf32, #tpu.memory_space<hbm>>
        tpu.wait_dma2 semaphore(%arg11 : memref<!tpu.dma_semaphore, #tpu.memory_space<semaphore_mem>>) src(%dma_wait3A_99 : memref<256x32xf32, #tpu.memory_space<hbm>>) dst(%arg10 : memref<256x32xf32, #tpu.memory_space<vmem>>)
        %dma_wait3A_100 = arith.constant 0 : i32
        %dma_wait3A_101 = arith.constant 0 : i32
        %dma_wait3A_102 = tpu.memref_slice %arg6[%dma_wait3A_100, %dma_wait3A_101] : memref<50008x32xf32, #tpu.memory_space<vmem_shared>> -> memref<50008x32xf32, #tpu.memory_space<vmem_shared>>
        tpu.wait_indirect_dma semaphore(%arg12 : memref<!tpu.dma_semaphore, #tpu.memory_space<semaphore_mem>>) src(%arg8 : memref<256x32xf32, #tpu.memory_space<vmem>>) dst(%dma_wait3A_102 : memref<50008x32xf32, #tpu.memory_space<vmem_shared>>)
        %add3A_103 = arith.constant 1 : i32
        %add3A_104 = arith.addi %scan3A_57, %add3A_103 : i32
        %lt3A = arith.constant 98 : i32
        %lt3A_105 = arith.cmpi slt, %add3A_104, %lt3A : i32
        %convert_element_type3A_106 = arith.extui %lt3A_105 : i1 to i32
        %cond3A_107 = arith.constant 0 : i32
        %cond3A_108 = arith.cmpi ne, %convert_element_type3A_106, %cond3A_107 : i32
        scf.if %cond3A_108 {
          %add3A_112 = arith.constant 2 : i32
          %add3A_113 = arith.addi %mul3A_59, %add3A_112 : i32
          %mul3A_114 = arith.constant 50176 : i32
          %mul3A_115 = arith.muli %arg1, %mul3A_114 : i32
          %mul3A_116 = arith.constant 256 : i32
          %mul3A_117 = arith.muli %add3A_113, %mul3A_116 : i32
          %add3A_118 = arith.addi %mul3A_115, %mul3A_117 : i32
          %dma_start3A_119 = tpu.memref_slice %arg3[%add3A_118] : memref<802816xi32, #tpu.memory_space<hbm>> -> memref<256xi32, #tpu.memory_space<hbm>>
          %dma_start3A_120 = tpu.memref_slice %arg3[%add3A_118] : memref<802816xi32, #tpu.memory_space<hbm>> -> memref<256xi32, #tpu.memory_space<hbm>>
          tpu.enqueue_dma source(%dma_start3A_120 : memref<256xi32, #tpu.memory_space<hbm>>) target(%arg7 : memref<256xi32, #tpu.memory_space<vmem>>) target_semaphore(%arg11 : memref<!tpu.dma_semaphore, #tpu.memory_space<semaphore_mem>>)
          %dma_start3A_121 = arith.constant 64 : i32
          %dma_start3A_122 = tpu.memref_slice %arg2[%add3A_118, %dma_start3A_121] : memref<802816x128xf32, #tpu.memory_space<hbm>> -> memref<256x32xf32, #tpu.memory_space<hbm>>
          %dma_start3A_123 = arith.constant 64 : i32
          %dma_start3A_124 = tpu.memref_slice %arg2[%add3A_118, %dma_start3A_123] : memref<802816x128xf32, #tpu.memory_space<hbm>> -> memref<256x32xf32, #tpu.memory_space<hbm>>
          tpu.enqueue_dma source(%dma_start3A_124 : memref<256x32xf32, #tpu.memory_space<hbm>>) target(%arg8 : memref<256x32xf32, #tpu.memory_space<vmem>>) target_semaphore(%arg11 : memref<!tpu.dma_semaphore, #tpu.memory_space<semaphore_mem>>)
        } else {
        }
        %dma_start3A_109 = arith.constant 0 : i32
        %dma_start3A_110 = arith.constant 0 : i32
        %dma_start3A_111 = tpu.memref_slice %arg6[%dma_start3A_109, %dma_start3A_110] : memref<50008x32xf32, #tpu.memory_space<vmem_shared>> -> memref<50008x32xf32, #tpu.memory_space<vmem_shared>>
        tpu.enqueue_indirect_dma source(%arg10 : memref<256x32xf32, #tpu.memory_space<vmem>>) target(%dma_start3A_111 : memref<50008x32xf32, #tpu.memory_space<vmem_shared>>) offsets(%arg9 : memref<256xi32, #tpu.memory_space<vmem>>) semaphore(%arg12 : memref<!tpu.dma_semaphore, #tpu.memory_space<semaphore_mem>>) {add = true}
      }
      %scan3A_47 = arith.constant 98 : i32
      %dma_wait3A_48 = arith.constant 0 : i32
      %dma_wait3A_49 = arith.constant 0 : i32
      %dma_wait3A_50 = tpu.memref_slice %arg6[%dma_wait3A_48, %dma_wait3A_49] : memref<50008x32xf32, #tpu.memory_space<vmem_shared>> -> memref<50008x32xf32, #tpu.memory_space<vmem_shared>>
      tpu.wait_indirect_dma semaphore(%arg12 : memref<!tpu.dma_semaphore, #tpu.memory_space<semaphore_mem>>) src(%arg10 : memref<256x32xf32, #tpu.memory_space<vmem>>) dst(%dma_wait3A_50 : memref<50008x32xf32, #tpu.memory_space<vmem_shared>>)
      %barrier3A_51 = arith.constant 0 : index
      tpu.barrier barrier_id(%barrier3A_51)
      %mul3A_52 = arith.constant 3125 : i32
      %mul3A_53 = arith.muli %arg1, %mul3A_52 : i32
      %mul3A_54 = arith.constant 3125 : i32
      %mul3A_55 = arith.muli %arg1, %mul3A_54 : i32
      "tpu.region"() ({
        %run_scoped3A = tpu.sem_alloc : memref<!tpu.dma_semaphore, #tpu.memory_space<semaphore_mem>>
        %dma_start3A_57 = arith.constant 64 : i32
        %dma_start3A_58 = tpu.memref_slice %arg5[%mul3A_55, %dma_start3A_57] : memref<50000x128xf32, #tpu.memory_space<hbm>> -> memref<3125x32xf32, #tpu.memory_space<hbm>>
        %dma_start3A_59 = arith.constant 0 : i32
        %dma_start3A_60 = tpu.memref_slice %arg6[%mul3A_53, %dma_start3A_59] : memref<50008x32xf32, #tpu.memory_space<vmem_shared>> -> memref<3125x32xf32, #tpu.memory_space<vmem_shared>>
        tpu.enqueue_dma source(%dma_start3A_60 : memref<3125x32xf32, #tpu.memory_space<vmem_shared>>) target(%dma_start3A_58 : memref<3125x32xf32, #tpu.memory_space<hbm>>) target_semaphore(%run_scoped3A : memref<!tpu.dma_semaphore, #tpu.memory_space<semaphore_mem>>)
        %dma_wait3A_61 = arith.constant 64 : i32
        %dma_wait3A_62 = tpu.memref_slice %arg5[%mul3A_55, %dma_wait3A_61] : memref<50000x128xf32, #tpu.memory_space<hbm>> -> memref<3125x32xf32, #tpu.memory_space<hbm>>
        %dma_wait3A_63 = arith.constant 0 : i32
        %dma_wait3A_64 = tpu.memref_slice %arg6[%mul3A_53, %dma_wait3A_63] : memref<50008x32xf32, #tpu.memory_space<vmem_shared>> -> memref<3125x32xf32, #tpu.memory_space<vmem_shared>>
        tpu.wait_dma2 semaphore(%run_scoped3A : memref<!tpu.dma_semaphore, #tpu.memory_space<semaphore_mem>>) src(%dma_wait3A_64 : memref<3125x32xf32, #tpu.memory_space<vmem_shared>>) dst(%dma_wait3A_62 : memref<3125x32xf32, #tpu.memory_space<hbm>>)
        tpu.yield
      }) : () -> ()
      %barrier3A_56 = arith.constant 0 : index
      tpu.barrier barrier_id(%barrier3A_56)
    } else {
    }
    %eq3A_2 = arith.constant 1 : i32
    %eq3A_3 = arith.cmpi eq, %arg0, %eq3A_2 : i32
    %convert_element_type3A_4 = arith.extui %eq3A_3 : i1 to i32
    %cond3A_5 = arith.constant 0 : i32
    %cond3A_6 = arith.cmpi ne, %convert_element_type3A_4, %cond3A_5 : i32
    scf.if %cond3A_6 {
      %mul3A = arith.constant 3125 : i32
      %mul3A_7 = arith.muli %arg1, %mul3A : i32
      "tpu.region"() ({
        %run_scoped3A = tpu.sem_alloc : memref<!tpu.dma_semaphore, #tpu.memory_space<semaphore_mem>>
        %dma_start3A_57 = arith.constant 0 : i32
        %dma_start3A_58 = tpu.memref_slice %arg6[%mul3A_7, %dma_start3A_57] : memref<50008x32xf32, #tpu.memory_space<vmem_shared>> -> memref<3125x32xf32, #tpu.memory_space<vmem_shared>>
        tpu.enqueue_dma source(%arg4 : memref<3125x32xf32, #tpu.memory_space<hbm>>) target(%dma_start3A_58 : memref<3125x32xf32, #tpu.memory_space<vmem_shared>>) target_semaphore(%run_scoped3A : memref<!tpu.dma_semaphore, #tpu.memory_space<semaphore_mem>>)
        %dma_wait3A_59 = arith.constant 0 : i32
        %dma_wait3A_60 = tpu.memref_slice %arg6[%mul3A_7, %dma_wait3A_59] : memref<50008x32xf32, #tpu.memory_space<vmem_shared>> -> memref<3125x32xf32, #tpu.memory_space<vmem_shared>>
        tpu.wait_dma2 semaphore(%run_scoped3A : memref<!tpu.dma_semaphore, #tpu.memory_space<semaphore_mem>>) src(%arg4 : memref<3125x32xf32, #tpu.memory_space<hbm>>) dst(%dma_wait3A_60 : memref<3125x32xf32, #tpu.memory_space<vmem_shared>>)
        tpu.yield
      }) : () -> ()
      %barrier3A = arith.constant 0 : index
      tpu.barrier barrier_id(%barrier3A)
      %mul3A_8 = arith.constant 50176 : i32
      %mul3A_9 = arith.muli %arg1, %mul3A_8 : i32
      %add3A = arith.constant 0 : i32
      %add3A_10 = arith.addi %mul3A_9, %add3A : i32
      %dma_start3A = tpu.memref_slice %arg3[%add3A_10] : memref<802816xi32, #tpu.memory_space<hbm>> -> memref<256xi32, #tpu.memory_space<hbm>>
      %dma_start3A_11 = tpu.memref_slice %arg3[%add3A_10] : memref<802816xi32, #tpu.memory_space<hbm>> -> memref<256xi32, #tpu.memory_space<hbm>>
      tpu.enqueue_dma source(%dma_start3A_11 : memref<256xi32, #tpu.memory_space<hbm>>) target(%arg7 : memref<256xi32, #tpu.memory_space<vmem>>) target_semaphore(%arg11 : memref<!tpu.dma_semaphore, #tpu.memory_space<semaphore_mem>>)
      %dma_start3A_12 = arith.constant 32 : i32
      %dma_start3A_13 = tpu.memref_slice %arg2[%add3A_10, %dma_start3A_12] : memref<802816x128xf32, #tpu.memory_space<hbm>> -> memref<256x32xf32, #tpu.memory_space<hbm>>
      %dma_start3A_14 = arith.constant 32 : i32
      %dma_start3A_15 = tpu.memref_slice %arg2[%add3A_10, %dma_start3A_14] : memref<802816x128xf32, #tpu.memory_space<hbm>> -> memref<256x32xf32, #tpu.memory_space<hbm>>
      tpu.enqueue_dma source(%dma_start3A_15 : memref<256x32xf32, #tpu.memory_space<hbm>>) target(%arg8 : memref<256x32xf32, #tpu.memory_space<vmem>>) target_semaphore(%arg11 : memref<!tpu.dma_semaphore, #tpu.memory_space<semaphore_mem>>)
      %scan3A = arith.constant 0 : i32
      %scan3A_16 = arith.constant 0 : i32
      %scan3A_17 = arith.constant 98 : i32
      %scan3A_18 = arith.addi %scan3A_16, %scan3A_17 : i32
      %scan3A_19 = arith.constant 1 : i32
      scf.for %scan3A_57 = %scan3A_16 to %scan3A_18 step %scan3A_19  : i32 {
        %mul3A_58 = arith.constant 2 : i32
        %mul3A_59 = arith.muli %scan3A_57, %mul3A_58 : i32
        %gt3A = arith.constant 0 : i32
        %gt3A_60 = arith.cmpi sgt, %scan3A_57, %gt3A : i32
        %convert_element_type3A_61 = arith.extui %gt3A_60 : i1 to i32
        %cond3A_62 = arith.constant 0 : i32
        %cond3A_63 = arith.cmpi ne, %convert_element_type3A_61, %cond3A_62 : i32
        scf.if %cond3A_63 {
          %dma_wait3A_112 = arith.constant 0 : i32
          %dma_wait3A_113 = arith.constant 0 : i32
          %dma_wait3A_114 = tpu.memref_slice %arg6[%dma_wait3A_112, %dma_wait3A_113] : memref<50008x32xf32, #tpu.memory_space<vmem_shared>> -> memref<50008x32xf32, #tpu.memory_space<vmem_shared>>
          tpu.wait_indirect_dma semaphore(%arg12 : memref<!tpu.dma_semaphore, #tpu.memory_space<semaphore_mem>>) src(%arg10 : memref<256x32xf32, #tpu.memory_space<vmem>>) dst(%dma_wait3A_114 : memref<50008x32xf32, #tpu.memory_space<vmem_shared>>)
        } else {
        }
        %add3A_64 = arith.constant 1 : i32
        %add3A_65 = arith.addi %mul3A_59, %add3A_64 : i32
        %mul3A_66 = arith.constant 50176 : i32
        %mul3A_67 = arith.muli %arg1, %mul3A_66 : i32
        %mul3A_68 = arith.constant 256 : i32
        %mul3A_69 = arith.muli %add3A_65, %mul3A_68 : i32
        %add3A_70 = arith.addi %mul3A_67, %mul3A_69 : i32
        %dma_start3A_71 = tpu.memref_slice %arg3[%add3A_70] : memref<802816xi32, #tpu.memory_space<hbm>> -> memref<256xi32, #tpu.memory_space<hbm>>
        %dma_start3A_72 = tpu.memref_slice %arg3[%add3A_70] : memref<802816xi32, #tpu.memory_space<hbm>> -> memref<256xi32, #tpu.memory_space<hbm>>
        tpu.enqueue_dma source(%dma_start3A_72 : memref<256xi32, #tpu.memory_space<hbm>>) target(%arg9 : memref<256xi32, #tpu.memory_space<vmem>>) target_semaphore(%arg11 : memref<!tpu.dma_semaphore, #tpu.memory_space<semaphore_mem>>)
        %dma_start3A_73 = arith.constant 32 : i32
        %dma_start3A_74 = tpu.memref_slice %arg2[%add3A_70, %dma_start3A_73] : memref<802816x128xf32, #tpu.memory_space<hbm>> -> memref<256x32xf32, #tpu.memory_space<hbm>>
        %dma_start3A_75 = arith.constant 32 : i32
        %dma_start3A_76 = tpu.memref_slice %arg2[%add3A_70, %dma_start3A_75] : memref<802816x128xf32, #tpu.memory_space<hbm>> -> memref<256x32xf32, #tpu.memory_space<hbm>>
        tpu.enqueue_dma source(%dma_start3A_76 : memref<256x32xf32, #tpu.memory_space<hbm>>) target(%arg10 : memref<256x32xf32, #tpu.memory_space<vmem>>) target_semaphore(%arg11 : memref<!tpu.dma_semaphore, #tpu.memory_space<semaphore_mem>>)
        %dma_wait3A_77 = arith.constant 0 : i32
        %dma_wait3A_78 = tpu.memref_slice %arg3[%dma_wait3A_77] : memref<802816xi32, #tpu.memory_space<hbm>> -> memref<256xi32, #tpu.memory_space<hbm>>
        %dma_wait3A_79 = arith.constant 0 : i32
        %dma_wait3A_80 = tpu.memref_slice %arg3[%dma_wait3A_79] : memref<802816xi32, #tpu.memory_space<hbm>> -> memref<256xi32, #tpu.memory_space<hbm>>
        tpu.wait_dma2 semaphore(%arg11 : memref<!tpu.dma_semaphore, #tpu.memory_space<semaphore_mem>>) src(%dma_wait3A_80 : memref<256xi32, #tpu.memory_space<hbm>>) dst(%arg7 : memref<256xi32, #tpu.memory_space<vmem>>)
        %dma_wait3A_81 = arith.constant 0 : i32
        %dma_wait3A_82 = arith.constant 32 : i32
        %dma_wait3A_83 = tpu.memref_slice %arg2[%dma_wait3A_81, %dma_wait3A_82] : memref<802816x128xf32, #tpu.memory_space<hbm>> -> memref<256x32xf32, #tpu.memory_space<hbm>>
        %dma_wait3A_84 = arith.constant 0 : i32
        %dma_wait3A_85 = arith.constant 32 : i32
        %dma_wait3A_86 = tpu.memref_slice %arg2[%dma_wait3A_84, %dma_wait3A_85] : memref<802816x128xf32, #tpu.memory_space<hbm>> -> memref<256x32xf32, #tpu.memory_space<hbm>>
        tpu.wait_dma2 semaphore(%arg11 : memref<!tpu.dma_semaphore, #tpu.memory_space<semaphore_mem>>) src(%dma_wait3A_86 : memref<256x32xf32, #tpu.memory_space<hbm>>) dst(%arg8 : memref<256x32xf32, #tpu.memory_space<vmem>>)
        %dma_start3A_87 = arith.constant 0 : i32
        %dma_start3A_88 = arith.constant 0 : i32
        %dma_start3A_89 = tpu.memref_slice %arg6[%dma_start3A_87, %dma_start3A_88] : memref<50008x32xf32, #tpu.memory_space<vmem_shared>> -> memref<50008x32xf32, #tpu.memory_space<vmem_shared>>
        tpu.enqueue_indirect_dma source(%arg8 : memref<256x32xf32, #tpu.memory_space<vmem>>) target(%dma_start3A_89 : memref<50008x32xf32, #tpu.memory_space<vmem_shared>>) offsets(%arg7 : memref<256xi32, #tpu.memory_space<vmem>>) semaphore(%arg12 : memref<!tpu.dma_semaphore, #tpu.memory_space<semaphore_mem>>) {add = true}
        %dma_wait3A_90 = arith.constant 0 : i32
        %dma_wait3A_91 = tpu.memref_slice %arg3[%dma_wait3A_90] : memref<802816xi32, #tpu.memory_space<hbm>> -> memref<256xi32, #tpu.memory_space<hbm>>
        %dma_wait3A_92 = arith.constant 0 : i32
        %dma_wait3A_93 = tpu.memref_slice %arg3[%dma_wait3A_92] : memref<802816xi32, #tpu.memory_space<hbm>> -> memref<256xi32, #tpu.memory_space<hbm>>
        tpu.wait_dma2 semaphore(%arg11 : memref<!tpu.dma_semaphore, #tpu.memory_space<semaphore_mem>>) src(%dma_wait3A_93 : memref<256xi32, #tpu.memory_space<hbm>>) dst(%arg9 : memref<256xi32, #tpu.memory_space<vmem>>)
        %dma_wait3A_94 = arith.constant 0 : i32
        %dma_wait3A_95 = arith.constant 32 : i32
        %dma_wait3A_96 = tpu.memref_slice %arg2[%dma_wait3A_94, %dma_wait3A_95] : memref<802816x128xf32, #tpu.memory_space<hbm>> -> memref<256x32xf32, #tpu.memory_space<hbm>>
        %dma_wait3A_97 = arith.constant 0 : i32
        %dma_wait3A_98 = arith.constant 32 : i32
        %dma_wait3A_99 = tpu.memref_slice %arg2[%dma_wait3A_97, %dma_wait3A_98] : memref<802816x128xf32, #tpu.memory_space<hbm>> -> memref<256x32xf32, #tpu.memory_space<hbm>>
        tpu.wait_dma2 semaphore(%arg11 : memref<!tpu.dma_semaphore, #tpu.memory_space<semaphore_mem>>) src(%dma_wait3A_99 : memref<256x32xf32, #tpu.memory_space<hbm>>) dst(%arg10 : memref<256x32xf32, #tpu.memory_space<vmem>>)
        %dma_wait3A_100 = arith.constant 0 : i32
        %dma_wait3A_101 = arith.constant 0 : i32
        %dma_wait3A_102 = tpu.memref_slice %arg6[%dma_wait3A_100, %dma_wait3A_101] : memref<50008x32xf32, #tpu.memory_space<vmem_shared>> -> memref<50008x32xf32, #tpu.memory_space<vmem_shared>>
        tpu.wait_indirect_dma semaphore(%arg12 : memref<!tpu.dma_semaphore, #tpu.memory_space<semaphore_mem>>) src(%arg8 : memref<256x32xf32, #tpu.memory_space<vmem>>) dst(%dma_wait3A_102 : memref<50008x32xf32, #tpu.memory_space<vmem_shared>>)
        %add3A_103 = arith.constant 1 : i32
        %add3A_104 = arith.addi %scan3A_57, %add3A_103 : i32
        %lt3A = arith.constant 98 : i32
        %lt3A_105 = arith.cmpi slt, %add3A_104, %lt3A : i32
        %convert_element_type3A_106 = arith.extui %lt3A_105 : i1 to i32
        %cond3A_107 = arith.constant 0 : i32
        %cond3A_108 = arith.cmpi ne, %convert_element_type3A_106, %cond3A_107 : i32
        scf.if %cond3A_108 {
          %add3A_112 = arith.constant 2 : i32
          %add3A_113 = arith.addi %mul3A_59, %add3A_112 : i32
          %mul3A_114 = arith.constant 50176 : i32
          %mul3A_115 = arith.muli %arg1, %mul3A_114 : i32
          %mul3A_116 = arith.constant 256 : i32
          %mul3A_117 = arith.muli %add3A_113, %mul3A_116 : i32
          %add3A_118 = arith.addi %mul3A_115, %mul3A_117 : i32
          %dma_start3A_119 = tpu.memref_slice %arg3[%add3A_118] : memref<802816xi32, #tpu.memory_space<hbm>> -> memref<256xi32, #tpu.memory_space<hbm>>
          %dma_start3A_120 = tpu.memref_slice %arg3[%add3A_118] : memref<802816xi32, #tpu.memory_space<hbm>> -> memref<256xi32, #tpu.memory_space<hbm>>
          tpu.enqueue_dma source(%dma_start3A_120 : memref<256xi32, #tpu.memory_space<hbm>>) target(%arg7 : memref<256xi32, #tpu.memory_space<vmem>>) target_semaphore(%arg11 : memref<!tpu.dma_semaphore, #tpu.memory_space<semaphore_mem>>)
          %dma_start3A_121 = arith.constant 32 : i32
          %dma_start3A_122 = tpu.memref_slice %arg2[%add3A_118, %dma_start3A_121] : memref<802816x128xf32, #tpu.memory_space<hbm>> -> memref<256x32xf32, #tpu.memory_space<hbm>>
          %dma_start3A_123 = arith.constant 32 : i32
          %dma_start3A_124 = tpu.memref_slice %arg2[%add3A_118, %dma_start3A_123] : memref<802816x128xf32, #tpu.memory_space<hbm>> -> memref<256x32xf32, #tpu.memory_space<hbm>>
          tpu.enqueue_dma source(%dma_start3A_124 : memref<256x32xf32, #tpu.memory_space<hbm>>) target(%arg8 : memref<256x32xf32, #tpu.memory_space<vmem>>) target_semaphore(%arg11 : memref<!tpu.dma_semaphore, #tpu.memory_space<semaphore_mem>>)
        } else {
        }
        %dma_start3A_109 = arith.constant 0 : i32
        %dma_start3A_110 = arith.constant 0 : i32
        %dma_start3A_111 = tpu.memref_slice %arg6[%dma_start3A_109, %dma_start3A_110] : memref<50008x32xf32, #tpu.memory_space<vmem_shared>> -> memref<50008x32xf32, #tpu.memory_space<vmem_shared>>
        tpu.enqueue_indirect_dma source(%arg10 : memref<256x32xf32, #tpu.memory_space<vmem>>) target(%dma_start3A_111 : memref<50008x32xf32, #tpu.memory_space<vmem_shared>>) offsets(%arg9 : memref<256xi32, #tpu.memory_space<vmem>>) semaphore(%arg12 : memref<!tpu.dma_semaphore, #tpu.memory_space<semaphore_mem>>) {add = true}
      }
      %scan3A_20 = arith.constant 98 : i32
      %dma_wait3A = arith.constant 0 : i32
      %dma_wait3A_21 = arith.constant 0 : i32
      %dma_wait3A_22 = tpu.memref_slice %arg6[%dma_wait3A, %dma_wait3A_21] : memref<50008x32xf32, #tpu.memory_space<vmem_shared>> -> memref<50008x32xf32, #tpu.memory_space<vmem_shared>>
      tpu.wait_indirect_dma semaphore(%arg12 : memref<!tpu.dma_semaphore, #tpu.memory_space<semaphore_mem>>) src(%arg10 : memref<256x32xf32, #tpu.memory_space<vmem>>) dst(%dma_wait3A_22 : memref<50008x32xf32, #tpu.memory_space<vmem_shared>>)
      %barrier3A_23 = arith.constant 0 : index
      tpu.barrier barrier_id(%barrier3A_23)
      %mul3A_24 = arith.constant 3125 : i32
      %mul3A_25 = arith.muli %arg1, %mul3A_24 : i32
      %mul3A_26 = arith.constant 3125 : i32
      %mul3A_27 = arith.muli %arg1, %mul3A_26 : i32
      "tpu.region"() ({
        %run_scoped3A = tpu.sem_alloc : memref<!tpu.dma_semaphore, #tpu.memory_space<semaphore_mem>>
        %dma_start3A_57 = arith.constant 32 : i32
        %dma_start3A_58 = tpu.memref_slice %arg5[%mul3A_27, %dma_start3A_57] : memref<50000x128xf32, #tpu.memory_space<hbm>> -> memref<3125x32xf32, #tpu.memory_space<hbm>>
        %dma_start3A_59 = arith.constant 0 : i32
        %dma_start3A_60 = tpu.memref_slice %arg6[%mul3A_25, %dma_start3A_59] : memref<50008x32xf32, #tpu.memory_space<vmem_shared>> -> memref<3125x32xf32, #tpu.memory_space<vmem_shared>>
        tpu.enqueue_dma source(%dma_start3A_60 : memref<3125x32xf32, #tpu.memory_space<vmem_shared>>) target(%dma_start3A_58 : memref<3125x32xf32, #tpu.memory_space<hbm>>) target_semaphore(%run_scoped3A : memref<!tpu.dma_semaphore, #tpu.memory_space<semaphore_mem>>)
        %dma_wait3A_61 = arith.constant 32 : i32
        %dma_wait3A_62 = tpu.memref_slice %arg5[%mul3A_27, %dma_wait3A_61] : memref<50000x128xf32, #tpu.memory_space<hbm>> -> memref<3125x32xf32, #tpu.memory_space<hbm>>
        %dma_wait3A_63 = arith.constant 0 : i32
        %dma_wait3A_64 = tpu.memref_slice %arg6[%mul3A_25, %dma_wait3A_63] : memref<50008x32xf32, #tpu.memory_space<vmem_shared>> -> memref<3125x32xf32, #tpu.memory_space<vmem_shared>>
        tpu.wait_dma2 semaphore(%run_scoped3A : memref<!tpu.dma_semaphore, #tpu.memory_space<semaphore_mem>>) src(%dma_wait3A_64 : memref<3125x32xf32, #tpu.memory_space<vmem_shared>>) dst(%dma_wait3A_62 : memref<3125x32xf32, #tpu.memory_space<hbm>>)
        tpu.yield
      }) : () -> ()
      %barrier3A_28 = arith.constant 0 : index
      tpu.barrier barrier_id(%barrier3A_28)
      %mul3A_29 = arith.constant 3125 : i32
      %mul3A_30 = arith.muli %arg1, %mul3A_29 : i32
      "tpu.region"() ({
        %run_scoped3A = tpu.sem_alloc : memref<!tpu.dma_semaphore, #tpu.memory_space<semaphore_mem>>
        %dma_start3A_57 = arith.constant 0 : i32
        %dma_start3A_58 = tpu.memref_slice %arg6[%mul3A_30, %dma_start3A_57] : memref<50008x32xf32, #tpu.memory_space<vmem_shared>> -> memref<3125x32xf32, #tpu.memory_space<vmem_shared>>
        tpu.enqueue_dma source(%arg4 : memref<3125x32xf32, #tpu.memory_space<hbm>>) target(%dma_start3A_58 : memref<3125x32xf32, #tpu.memory_space<vmem_shared>>) target_semaphore(%run_scoped3A : memref<!tpu.dma_semaphore, #tpu.memory_space<semaphore_mem>>)
        %dma_wait3A_59 = arith.constant 0 : i32
        %dma_wait3A_60 = tpu.memref_slice %arg6[%mul3A_30, %dma_wait3A_59] : memref<50008x32xf32, #tpu.memory_space<vmem_shared>> -> memref<3125x32xf32, #tpu.memory_space<vmem_shared>>
        tpu.wait_dma2 semaphore(%run_scoped3A : memref<!tpu.dma_semaphore, #tpu.memory_space<semaphore_mem>>) src(%arg4 : memref<3125x32xf32, #tpu.memory_space<hbm>>) dst(%dma_wait3A_60 : memref<3125x32xf32, #tpu.memory_space<vmem_shared>>)
        tpu.yield
      }) : () -> ()
      %barrier3A_31 = arith.constant 0 : index
      tpu.barrier barrier_id(%barrier3A_31)
      %mul3A_32 = arith.constant 50176 : i32
      %mul3A_33 = arith.muli %arg1, %mul3A_32 : i32
      %add3A_34 = arith.constant 0 : i32
      %add3A_35 = arith.addi %mul3A_33, %add3A_34 : i32
      %dma_start3A_36 = tpu.memref_slice %arg3[%add3A_35] : memref<802816xi32, #tpu.memory_space<hbm>> -> memref<256xi32, #tpu.memory_space<hbm>>
      %dma_start3A_37 = tpu.memref_slice %arg3[%add3A_35] : memref<802816xi32, #tpu.memory_space<hbm>> -> memref<256xi32, #tpu.memory_space<hbm>>
      tpu.enqueue_dma source(%dma_start3A_37 : memref<256xi32, #tpu.memory_space<hbm>>) target(%arg7 : memref<256xi32, #tpu.memory_space<vmem>>) target_semaphore(%arg11 : memref<!tpu.dma_semaphore, #tpu.memory_space<semaphore_mem>>)
      %dma_start3A_38 = arith.constant 96 : i32
      %dma_start3A_39 = tpu.memref_slice %arg2[%add3A_35, %dma_start3A_38] : memref<802816x128xf32, #tpu.memory_space<hbm>> -> memref<256x32xf32, #tpu.memory_space<hbm>>
      %dma_start3A_40 = arith.constant 96 : i32
      %dma_start3A_41 = tpu.memref_slice %arg2[%add3A_35, %dma_start3A_40] : memref<802816x128xf32, #tpu.memory_space<hbm>> -> memref<256x32xf32, #tpu.memory_space<hbm>>
      tpu.enqueue_dma source(%dma_start3A_41 : memref<256x32xf32, #tpu.memory_space<hbm>>) target(%arg8 : memref<256x32xf32, #tpu.memory_space<vmem>>) target_semaphore(%arg11 : memref<!tpu.dma_semaphore, #tpu.memory_space<semaphore_mem>>)
      %scan3A_42 = arith.constant 0 : i32
      %scan3A_43 = arith.constant 0 : i32
      %scan3A_44 = arith.constant 98 : i32
      %scan3A_45 = arith.addi %scan3A_43, %scan3A_44 : i32
      %scan3A_46 = arith.constant 1 : i32
      scf.for %scan3A_57 = %scan3A_43 to %scan3A_45 step %scan3A_46  : i32 {
        %mul3A_58 = arith.constant 2 : i32
        %mul3A_59 = arith.muli %scan3A_57, %mul3A_58 : i32
        %gt3A = arith.constant 0 : i32
        %gt3A_60 = arith.cmpi sgt, %scan3A_57, %gt3A : i32
        %convert_element_type3A_61 = arith.extui %gt3A_60 : i1 to i32
        %cond3A_62 = arith.constant 0 : i32
        %cond3A_63 = arith.cmpi ne, %convert_element_type3A_61, %cond3A_62 : i32
        scf.if %cond3A_63 {
          %dma_wait3A_112 = arith.constant 0 : i32
          %dma_wait3A_113 = arith.constant 0 : i32
          %dma_wait3A_114 = tpu.memref_slice %arg6[%dma_wait3A_112, %dma_wait3A_113] : memref<50008x32xf32, #tpu.memory_space<vmem_shared>> -> memref<50008x32xf32, #tpu.memory_space<vmem_shared>>
          tpu.wait_indirect_dma semaphore(%arg12 : memref<!tpu.dma_semaphore, #tpu.memory_space<semaphore_mem>>) src(%arg10 : memref<256x32xf32, #tpu.memory_space<vmem>>) dst(%dma_wait3A_114 : memref<50008x32xf32, #tpu.memory_space<vmem_shared>>)
        } else {
        }
        %add3A_64 = arith.constant 1 : i32
        %add3A_65 = arith.addi %mul3A_59, %add3A_64 : i32
        %mul3A_66 = arith.constant 50176 : i32
        %mul3A_67 = arith.muli %arg1, %mul3A_66 : i32
        %mul3A_68 = arith.constant 256 : i32
        %mul3A_69 = arith.muli %add3A_65, %mul3A_68 : i32
        %add3A_70 = arith.addi %mul3A_67, %mul3A_69 : i32
        %dma_start3A_71 = tpu.memref_slice %arg3[%add3A_70] : memref<802816xi32, #tpu.memory_space<hbm>> -> memref<256xi32, #tpu.memory_space<hbm>>
        %dma_start3A_72 = tpu.memref_slice %arg3[%add3A_70] : memref<802816xi32, #tpu.memory_space<hbm>> -> memref<256xi32, #tpu.memory_space<hbm>>
        tpu.enqueue_dma source(%dma_start3A_72 : memref<256xi32, #tpu.memory_space<hbm>>) target(%arg9 : memref<256xi32, #tpu.memory_space<vmem>>) target_semaphore(%arg11 : memref<!tpu.dma_semaphore, #tpu.memory_space<semaphore_mem>>)
        %dma_start3A_73 = arith.constant 96 : i32
        %dma_start3A_74 = tpu.memref_slice %arg2[%add3A_70, %dma_start3A_73] : memref<802816x128xf32, #tpu.memory_space<hbm>> -> memref<256x32xf32, #tpu.memory_space<hbm>>
        %dma_start3A_75 = arith.constant 96 : i32
        %dma_start3A_76 = tpu.memref_slice %arg2[%add3A_70, %dma_start3A_75] : memref<802816x128xf32, #tpu.memory_space<hbm>> -> memref<256x32xf32, #tpu.memory_space<hbm>>
        tpu.enqueue_dma source(%dma_start3A_76 : memref<256x32xf32, #tpu.memory_space<hbm>>) target(%arg10 : memref<256x32xf32, #tpu.memory_space<vmem>>) target_semaphore(%arg11 : memref<!tpu.dma_semaphore, #tpu.memory_space<semaphore_mem>>)
        %dma_wait3A_77 = arith.constant 0 : i32
        %dma_wait3A_78 = tpu.memref_slice %arg3[%dma_wait3A_77] : memref<802816xi32, #tpu.memory_space<hbm>> -> memref<256xi32, #tpu.memory_space<hbm>>
        %dma_wait3A_79 = arith.constant 0 : i32
        %dma_wait3A_80 = tpu.memref_slice %arg3[%dma_wait3A_79] : memref<802816xi32, #tpu.memory_space<hbm>> -> memref<256xi32, #tpu.memory_space<hbm>>
        tpu.wait_dma2 semaphore(%arg11 : memref<!tpu.dma_semaphore, #tpu.memory_space<semaphore_mem>>) src(%dma_wait3A_80 : memref<256xi32, #tpu.memory_space<hbm>>) dst(%arg7 : memref<256xi32, #tpu.memory_space<vmem>>)
        %dma_wait3A_81 = arith.constant 0 : i32
        %dma_wait3A_82 = arith.constant 96 : i32
        %dma_wait3A_83 = tpu.memref_slice %arg2[%dma_wait3A_81, %dma_wait3A_82] : memref<802816x128xf32, #tpu.memory_space<hbm>> -> memref<256x32xf32, #tpu.memory_space<hbm>>
        %dma_wait3A_84 = arith.constant 0 : i32
        %dma_wait3A_85 = arith.constant 96 : i32
        %dma_wait3A_86 = tpu.memref_slice %arg2[%dma_wait3A_84, %dma_wait3A_85] : memref<802816x128xf32, #tpu.memory_space<hbm>> -> memref<256x32xf32, #tpu.memory_space<hbm>>
        tpu.wait_dma2 semaphore(%arg11 : memref<!tpu.dma_semaphore, #tpu.memory_space<semaphore_mem>>) src(%dma_wait3A_86 : memref<256x32xf32, #tpu.memory_space<hbm>>) dst(%arg8 : memref<256x32xf32, #tpu.memory_space<vmem>>)
        %dma_start3A_87 = arith.constant 0 : i32
        %dma_start3A_88 = arith.constant 0 : i32
        %dma_start3A_89 = tpu.memref_slice %arg6[%dma_start3A_87, %dma_start3A_88] : memref<50008x32xf32, #tpu.memory_space<vmem_shared>> -> memref<50008x32xf32, #tpu.memory_space<vmem_shared>>
        tpu.enqueue_indirect_dma source(%arg8 : memref<256x32xf32, #tpu.memory_space<vmem>>) target(%dma_start3A_89 : memref<50008x32xf32, #tpu.memory_space<vmem_shared>>) offsets(%arg7 : memref<256xi32, #tpu.memory_space<vmem>>) semaphore(%arg12 : memref<!tpu.dma_semaphore, #tpu.memory_space<semaphore_mem>>) {add = true}
        %dma_wait3A_90 = arith.constant 0 : i32
        %dma_wait3A_91 = tpu.memref_slice %arg3[%dma_wait3A_90] : memref<802816xi32, #tpu.memory_space<hbm>> -> memref<256xi32, #tpu.memory_space<hbm>>
        %dma_wait3A_92 = arith.constant 0 : i32
        %dma_wait3A_93 = tpu.memref_slice %arg3[%dma_wait3A_92] : memref<802816xi32, #tpu.memory_space<hbm>> -> memref<256xi32, #tpu.memory_space<hbm>>
        tpu.wait_dma2 semaphore(%arg11 : memref<!tpu.dma_semaphore, #tpu.memory_space<semaphore_mem>>) src(%dma_wait3A_93 : memref<256xi32, #tpu.memory_space<hbm>>) dst(%arg9 : memref<256xi32, #tpu.memory_space<vmem>>)
        %dma_wait3A_94 = arith.constant 0 : i32
        %dma_wait3A_95 = arith.constant 96 : i32
        %dma_wait3A_96 = tpu.memref_slice %arg2[%dma_wait3A_94, %dma_wait3A_95] : memref<802816x128xf32, #tpu.memory_space<hbm>> -> memref<256x32xf32, #tpu.memory_space<hbm>>
        %dma_wait3A_97 = arith.constant 0 : i32
        %dma_wait3A_98 = arith.constant 96 : i32
        %dma_wait3A_99 = tpu.memref_slice %arg2[%dma_wait3A_97, %dma_wait3A_98] : memref<802816x128xf32, #tpu.memory_space<hbm>> -> memref<256x32xf32, #tpu.memory_space<hbm>>
        tpu.wait_dma2 semaphore(%arg11 : memref<!tpu.dma_semaphore, #tpu.memory_space<semaphore_mem>>) src(%dma_wait3A_99 : memref<256x32xf32, #tpu.memory_space<hbm>>) dst(%arg10 : memref<256x32xf32, #tpu.memory_space<vmem>>)
        %dma_wait3A_100 = arith.constant 0 : i32
        %dma_wait3A_101 = arith.constant 0 : i32
        %dma_wait3A_102 = tpu.memref_slice %arg6[%dma_wait3A_100, %dma_wait3A_101] : memref<50008x32xf32, #tpu.memory_space<vmem_shared>> -> memref<50008x32xf32, #tpu.memory_space<vmem_shared>>
        tpu.wait_indirect_dma semaphore(%arg12 : memref<!tpu.dma_semaphore, #tpu.memory_space<semaphore_mem>>) src(%arg8 : memref<256x32xf32, #tpu.memory_space<vmem>>) dst(%dma_wait3A_102 : memref<50008x32xf32, #tpu.memory_space<vmem_shared>>)
        %add3A_103 = arith.constant 1 : i32
        %add3A_104 = arith.addi %scan3A_57, %add3A_103 : i32
        %lt3A = arith.constant 98 : i32
        %lt3A_105 = arith.cmpi slt, %add3A_104, %lt3A : i32
        %convert_element_type3A_106 = arith.extui %lt3A_105 : i1 to i32
        %cond3A_107 = arith.constant 0 : i32
        %cond3A_108 = arith.cmpi ne, %convert_element_type3A_106, %cond3A_107 : i32
        scf.if %cond3A_108 {
          %add3A_112 = arith.constant 2 : i32
          %add3A_113 = arith.addi %mul3A_59, %add3A_112 : i32
          %mul3A_114 = arith.constant 50176 : i32
          %mul3A_115 = arith.muli %arg1, %mul3A_114 : i32
          %mul3A_116 = arith.constant 256 : i32
          %mul3A_117 = arith.muli %add3A_113, %mul3A_116 : i32
          %add3A_118 = arith.addi %mul3A_115, %mul3A_117 : i32
          %dma_start3A_119 = tpu.memref_slice %arg3[%add3A_118] : memref<802816xi32, #tpu.memory_space<hbm>> -> memref<256xi32, #tpu.memory_space<hbm>>
          %dma_start3A_120 = tpu.memref_slice %arg3[%add3A_118] : memref<802816xi32, #tpu.memory_space<hbm>> -> memref<256xi32, #tpu.memory_space<hbm>>
          tpu.enqueue_dma source(%dma_start3A_120 : memref<256xi32, #tpu.memory_space<hbm>>) target(%arg7 : memref<256xi32, #tpu.memory_space<vmem>>) target_semaphore(%arg11 : memref<!tpu.dma_semaphore, #tpu.memory_space<semaphore_mem>>)
          %dma_start3A_121 = arith.constant 96 : i32
          %dma_start3A_122 = tpu.memref_slice %arg2[%add3A_118, %dma_start3A_121] : memref<802816x128xf32, #tpu.memory_space<hbm>> -> memref<256x32xf32, #tpu.memory_space<hbm>>
          %dma_start3A_123 = arith.constant 96 : i32
          %dma_start3A_124 = tpu.memref_slice %arg2[%add3A_118, %dma_start3A_123] : memref<802816x128xf32, #tpu.memory_space<hbm>> -> memref<256x32xf32, #tpu.memory_space<hbm>>
          tpu.enqueue_dma source(%dma_start3A_124 : memref<256x32xf32, #tpu.memory_space<hbm>>) target(%arg8 : memref<256x32xf32, #tpu.memory_space<vmem>>) target_semaphore(%arg11 : memref<!tpu.dma_semaphore, #tpu.memory_space<semaphore_mem>>)
        } else {
        }
        %dma_start3A_109 = arith.constant 0 : i32
        %dma_start3A_110 = arith.constant 0 : i32
        %dma_start3A_111 = tpu.memref_slice %arg6[%dma_start3A_109, %dma_start3A_110] : memref<50008x32xf32, #tpu.memory_space<vmem_shared>> -> memref<50008x32xf32, #tpu.memory_space<vmem_shared>>
        tpu.enqueue_indirect_dma source(%arg10 : memref<256x32xf32, #tpu.memory_space<vmem>>) target(%dma_start3A_111 : memref<50008x32xf32, #tpu.memory_space<vmem_shared>>) offsets(%arg9 : memref<256xi32, #tpu.memory_space<vmem>>) semaphore(%arg12 : memref<!tpu.dma_semaphore, #tpu.memory_space<semaphore_mem>>) {add = true}
      }
      %scan3A_47 = arith.constant 98 : i32
      %dma_wait3A_48 = arith.constant 0 : i32
      %dma_wait3A_49 = arith.constant 0 : i32
      %dma_wait3A_50 = tpu.memref_slice %arg6[%dma_wait3A_48, %dma_wait3A_49] : memref<50008x32xf32, #tpu.memory_space<vmem_shared>> -> memref<50008x32xf32, #tpu.memory_space<vmem_shared>>
      tpu.wait_indirect_dma semaphore(%arg12 : memref<!tpu.dma_semaphore, #tpu.memory_space<semaphore_mem>>) src(%arg10 : memref<256x32xf32, #tpu.memory_space<vmem>>) dst(%dma_wait3A_50 : memref<50008x32xf32, #tpu.memory_space<vmem_shared>>)
      %barrier3A_51 = arith.constant 0 : index
      tpu.barrier barrier_id(%barrier3A_51)
      %mul3A_52 = arith.constant 3125 : i32
      %mul3A_53 = arith.muli %arg1, %mul3A_52 : i32
      %mul3A_54 = arith.constant 3125 : i32
      %mul3A_55 = arith.muli %arg1, %mul3A_54 : i32
      "tpu.region"() ({
        %run_scoped3A = tpu.sem_alloc : memref<!tpu.dma_semaphore, #tpu.memory_space<semaphore_mem>>
        %dma_start3A_57 = arith.constant 96 : i32
        %dma_start3A_58 = tpu.memref_slice %arg5[%mul3A_55, %dma_start3A_57] : memref<50000x128xf32, #tpu.memory_space<hbm>> -> memref<3125x32xf32, #tpu.memory_space<hbm>>
        %dma_start3A_59 = arith.constant 0 : i32
        %dma_start3A_60 = tpu.memref_slice %arg6[%mul3A_53, %dma_start3A_59] : memref<50008x32xf32, #tpu.memory_space<vmem_shared>> -> memref<3125x32xf32, #tpu.memory_space<vmem_shared>>
        tpu.enqueue_dma source(%dma_start3A_60 : memref<3125x32xf32, #tpu.memory_space<vmem_shared>>) target(%dma_start3A_58 : memref<3125x32xf32, #tpu.memory_space<hbm>>) target_semaphore(%run_scoped3A : memref<!tpu.dma_semaphore, #tpu.memory_space<semaphore_mem>>)
        %dma_wait3A_61 = arith.constant 96 : i32
        %dma_wait3A_62 = tpu.memref_slice %arg5[%mul3A_55, %dma_wait3A_61] : memref<50000x128xf32, #tpu.memory_space<hbm>> -> memref<3125x32xf32, #tpu.memory_space<hbm>>
        %dma_wait3A_63 = arith.constant 0 : i32
        %dma_wait3A_64 = tpu.memref_slice %arg6[%mul3A_53, %dma_wait3A_63] : memref<50008x32xf32, #tpu.memory_space<vmem_shared>> -> memref<3125x32xf32, #tpu.memory_space<vmem_shared>>
        tpu.wait_dma2 semaphore(%run_scoped3A : memref<!tpu.dma_semaphore, #tpu.memory_space<semaphore_mem>>) src(%dma_wait3A_64 : memref<3125x32xf32, #tpu.memory_space<vmem_shared>>) dst(%dma_wait3A_62 : memref<3125x32xf32, #tpu.memory_space<hbm>>)
        tpu.yield
      }) : () -> ()
      %barrier3A_56 = arith.constant 0 : index
      tpu.barrier barrier_id(%barrier3A_56)
    } else {
    }
    return
  }
}

module attributes {stable_mosaic.version = 14 : i64} {
  func.func @_relation_mlp_body(%arg0: i32, %arg1: memref<4096x8xf32, #tpu.memory_space<vmem>>, %arg2: memref<4096x8xf32, #tpu.memory_space<vmem>>, %arg3: memref<8x100xf32, #tpu.memory_space<vmem>>, %arg4: memref<8x100xf32, #tpu.memory_space<vmem>>, %arg5: memref<1x100xf32, #tpu.memory_space<vmem>>, %arg6: memref<100x100xbf16, #tpu.memory_space<vmem>>, %arg7: memref<1x100xf32, #tpu.memory_space<vmem>>, %arg8: memref<100x100xbf16, #tpu.memory_space<vmem>>, %arg9: memref<1x100xf32, #tpu.memory_space<vmem>>, %arg10: memref<100x128xbf16, #tpu.memory_space<vmem>>, %arg11: memref<1x128xf32, #tpu.memory_space<vmem>>, %arg12: memref<4096x128xf32, #tpu.memory_space<vmem>>) attributes {dimension_semantics = [#tpu.dimension_semantics<arbitrary>], iteration_bounds = array<i64: 196>, scalar_prefetch = 0 : i64, scratch_operands = 0 : i64, tpu.core_type = #tpu.core_type<tc>, window_params = [{transform_indices = @transform_0, window_bounds = array<i64: 4096, 8>}, {transform_indices = @transform_1, window_bounds = array<i64: 4096, 8>}, {pipeline_mode = #tpu.pipeline_mode<synchronous>, transform_indices = @transform_2, window_bounds = array<i64: 8, 100>}, {pipeline_mode = #tpu.pipeline_mode<synchronous>, transform_indices = @transform_3, window_bounds = array<i64: 8, 100>}, {pipeline_mode = #tpu.pipeline_mode<synchronous>, transform_indices = @transform_4, window_bounds = array<i64: 1, 100>}, {pipeline_mode = #tpu.pipeline_mode<synchronous>, transform_indices = @transform_5, window_bounds = array<i64: 100, 100>}, {pipeline_mode = #tpu.pipeline_mode<synchronous>, transform_indices = @transform_6, window_bounds = array<i64: 1, 100>}, {pipeline_mode = #tpu.pipeline_mode<synchronous>, transform_indices = @transform_7, window_bounds = array<i64: 100, 100>}, {pipeline_mode = #tpu.pipeline_mode<synchronous>, transform_indices = @transform_8, window_bounds = array<i64: 1, 100>}, {pipeline_mode = #tpu.pipeline_mode<synchronous>, transform_indices = @transform_9, window_bounds = array<i64: 100, 128>}, {pipeline_mode = #tpu.pipeline_mode<synchronous>, transform_indices = @transform_10, window_bounds = array<i64: 1, 128>}, {transform_indices = @transform_11, window_bounds = array<i64: 4096, 128>}]} {
    %get3A = arith.constant 0 : index
    %get3A_0 = arith.constant 0 : index
    %get3A_1 = vector.load %arg1[%get3A, %get3A_0] : memref<4096x8xf32, #tpu.memory_space<vmem>>, vector<4096x8xf32>
    %get3A_2 = arith.constant 0 : index
    %get3A_3 = arith.constant 0 : index
    %get3A_4 = vector.load %arg3[%get3A_2, %get3A_3] : memref<8x100xf32, #tpu.memory_space<vmem>>, vector<8x100xf32>
    %dot_general3A = arith.constant dense<0.000000e+00> : vector<4096x100xf32>
    %dot_general3A_5 = tpu.matmul %get3A_1, %get3A_4, %dot_general3A {dimension_numbers = #tpu.dot_dimension_numbers<[1], [0], [0], [1], [0, 0, 1, 1], [], []>, transpose_lhs_hint = false} : vector<4096x8xf32>, vector<8x100xf32>, vector<4096x100xf32> -> vector<4096x100xf32>
    %get3A_6 = arith.constant 0 : index
    %get3A_7 = arith.constant 0 : index
    %get3A_8 = vector.load %arg2[%get3A_6, %get3A_7] : memref<4096x8xf32, #tpu.memory_space<vmem>>, vector<4096x8xf32>
    %get3A_9 = arith.constant 0 : index
    %get3A_10 = arith.constant 0 : index
    %get3A_11 = vector.load %arg4[%get3A_9, %get3A_10] : memref<8x100xf32, #tpu.memory_space<vmem>>, vector<8x100xf32>
    %dot_general3A_12 = arith.constant dense<0.000000e+00> : vector<4096x100xf32>
    %dot_general3A_13 = tpu.matmul %get3A_8, %get3A_11, %dot_general3A_12 {dimension_numbers = #tpu.dot_dimension_numbers<[1], [0], [0], [1], [0, 0, 1, 1], [], []>, transpose_lhs_hint = false} : vector<4096x8xf32>, vector<8x100xf32>, vector<4096x100xf32> -> vector<4096x100xf32>
    %add3A = arith.addf %dot_general3A_5, %dot_general3A_13 : vector<4096x100xf32>
    %get3A_14 = arith.constant 0 : index
    %get3A_15 = arith.constant 0 : index
    %get3A_16 = vector.load %arg5[%get3A_14, %get3A_15] : memref<1x100xf32, #tpu.memory_space<vmem>>, vector<1x100xf32>
    %add3A_17 = vector.broadcast %get3A_16 : vector<1x100xf32> to vector<4096x100xf32>
    %add3A_18 = arith.addf %add3A, %add3A_17 : vector<4096x100xf32>
    %max3A = arith.constant 0.000000e+00 : f32
    %max3A_19 = vector.broadcast %max3A : f32 to vector<4096x100xf32>
    %max3A_20 = arith.maximumf %add3A_18, %max3A_19 : vector<4096x100xf32>
    %convert_element_type3A = arith.truncf %max3A_20 : vector<4096x100xf32> to vector<4096x100xbf16>
    %get3A_21 = arith.constant 0 : index
    %get3A_22 = arith.constant 0 : index
    %get3A_23 = vector.load %arg6[%get3A_21, %get3A_22] : memref<100x100xbf16, #tpu.memory_space<vmem>>, vector<100x100xbf16>
    %dot_general3A_24 = arith.constant dense<0.000000e+00> : vector<4096x100xf32>
    %dot_general3A_25 = tpu.matmul %convert_element_type3A, %get3A_23, %dot_general3A_24 {dimension_numbers = #tpu.dot_dimension_numbers<[1], [0], [0], [1], [0, 0, 1, 1], [], []>, transpose_lhs_hint = false} : vector<4096x100xbf16>, vector<100x100xbf16>, vector<4096x100xf32> -> vector<4096x100xf32>
    %get3A_26 = arith.constant 0 : index
    %get3A_27 = arith.constant 0 : index
    %get3A_28 = vector.load %arg7[%get3A_26, %get3A_27] : memref<1x100xf32, #tpu.memory_space<vmem>>, vector<1x100xf32>
    %add3A_29 = vector.broadcast %get3A_28 : vector<1x100xf32> to vector<4096x100xf32>
    %add3A_30 = arith.addf %dot_general3A_25, %add3A_29 : vector<4096x100xf32>
    %max3A_31 = arith.constant 0.000000e+00 : f32
    %max3A_32 = vector.broadcast %max3A_31 : f32 to vector<4096x100xf32>
    %max3A_33 = arith.maximumf %add3A_30, %max3A_32 : vector<4096x100xf32>
    %convert_element_type3A_34 = arith.truncf %max3A_33 : vector<4096x100xf32> to vector<4096x100xbf16>
    %get3A_35 = arith.constant 0 : index
    %get3A_36 = arith.constant 0 : index
    %get3A_37 = vector.load %arg8[%get3A_35, %get3A_36] : memref<100x100xbf16, #tpu.memory_space<vmem>>, vector<100x100xbf16>
    %dot_general3A_38 = arith.constant dense<0.000000e+00> : vector<4096x100xf32>
    %dot_general3A_39 = tpu.matmul %convert_element_type3A_34, %get3A_37, %dot_general3A_38 {dimension_numbers = #tpu.dot_dimension_numbers<[1], [0], [0], [1], [0, 0, 1, 1], [], []>, transpose_lhs_hint = false} : vector<4096x100xbf16>, vector<100x100xbf16>, vector<4096x100xf32> -> vector<4096x100xf32>
    %get3A_40 = arith.constant 0 : index
    %get3A_41 = arith.constant 0 : index
    %get3A_42 = vector.load %arg9[%get3A_40, %get3A_41] : memref<1x100xf32, #tpu.memory_space<vmem>>, vector<1x100xf32>
    %add3A_43 = vector.broadcast %get3A_42 : vector<1x100xf32> to vector<4096x100xf32>
    %add3A_44 = arith.addf %dot_general3A_39, %add3A_43 : vector<4096x100xf32>
    %max3A_45 = arith.constant 0.000000e+00 : f32
    %max3A_46 = vector.broadcast %max3A_45 : f32 to vector<4096x100xf32>
    %max3A_47 = arith.maximumf %add3A_44, %max3A_46 : vector<4096x100xf32>
    %convert_element_type3A_48 = arith.truncf %max3A_47 : vector<4096x100xf32> to vector<4096x100xbf16>
    %get3A_49 = arith.constant 0 : index
    %get3A_50 = arith.constant 0 : index
    %get3A_51 = vector.load %arg10[%get3A_49, %get3A_50] : memref<100x128xbf16, #tpu.memory_space<vmem>>, vector<100x128xbf16>
    %dot_general3A_52 = arith.constant dense<0.000000e+00> : vector<4096x128xf32>
    %dot_general3A_53 = tpu.matmul %convert_element_type3A_48, %get3A_51, %dot_general3A_52 {dimension_numbers = #tpu.dot_dimension_numbers<[1], [0], [0], [1], [0, 0, 1, 1], [], []>, transpose_lhs_hint = false} : vector<4096x100xbf16>, vector<100x128xbf16>, vector<4096x128xf32> -> vector<4096x128xf32>
    %get3A_54 = arith.constant 0 : index
    %get3A_55 = arith.constant 0 : index
    %get3A_56 = vector.load %arg11[%get3A_54, %get3A_55] : memref<1x128xf32, #tpu.memory_space<vmem>>, vector<1x128xf32>
    %add3A_57 = vector.broadcast %get3A_56 : vector<1x128xf32> to vector<4096x128xf32>
    %add3A_58 = arith.addf %dot_general3A_53, %add3A_57 : vector<4096x128xf32>
    %max3A_59 = arith.constant 0.000000e+00 : f32
    %max3A_60 = vector.broadcast %max3A_59 : f32 to vector<4096x128xf32>
    %max3A_61 = arith.maximumf %add3A_58, %max3A_60 : vector<4096x128xf32>
    %swap3A = arith.constant 0 : index
    %swap3A_62 = arith.constant 0 : index
    %swap3A_63 = vector.load %arg12[%swap3A, %swap3A_62] : memref<4096x128xf32, #tpu.memory_space<vmem>>, vector<4096x128xf32>
    tpu.vector_store %arg12[%swap3A, %swap3A_62], %max3A_61 {strides = array<i32>} : memref<4096x128xf32, #tpu.memory_space<vmem>>, vector<4096x128xf32>,
    return
  }
  func.func @transform_0(%arg0: i32) -> (i32, i32) {
    %c0_i32 = arith.constant 0 : i32
    %c0_i32_0 = arith.constant 0 : i32
    return %arg0, %c0_i32 : i32, i32
  }
  func.func @transform_1(%arg0: i32) -> (i32, i32) {
    %c0_i32 = arith.constant 0 : i32
    %c0_i32_0 = arith.constant 0 : i32
    return %arg0, %c0_i32 : i32, i32
  }
  func.func @transform_2(%arg0: i32) -> (i32, i32) {
    %c0_i32 = arith.constant 0 : i32
    %c0_i32_0 = arith.constant 0 : i32
    %c0_i32_1 = arith.constant 0 : i32
    return %c0_i32, %c0_i32_0 : i32, i32
  }
  func.func @transform_3(%arg0: i32) -> (i32, i32) {
    %c0_i32 = arith.constant 0 : i32
    %c0_i32_0 = arith.constant 0 : i32
    %c0_i32_1 = arith.constant 0 : i32
    return %c0_i32, %c0_i32_0 : i32, i32
  }
  func.func @transform_4(%arg0: i32) -> (i32, i32) {
    %c0_i32 = arith.constant 0 : i32
    %c0_i32_0 = arith.constant 0 : i32
    %c0_i32_1 = arith.constant 0 : i32
    return %c0_i32, %c0_i32_0 : i32, i32
  }
  func.func @transform_5(%arg0: i32) -> (i32, i32) {
    %c0_i32 = arith.constant 0 : i32
    %c0_i32_0 = arith.constant 0 : i32
    %c0_i32_1 = arith.constant 0 : i32
    return %c0_i32, %c0_i32_0 : i32, i32
  }
  func.func @transform_6(%arg0: i32) -> (i32, i32) {
    %c0_i32 = arith.constant 0 : i32
    %c0_i32_0 = arith.constant 0 : i32
    %c0_i32_1 = arith.constant 0 : i32
    return %c0_i32, %c0_i32_0 : i32, i32
  }
  func.func @transform_7(%arg0: i32) -> (i32, i32) {
    %c0_i32 = arith.constant 0 : i32
    %c0_i32_0 = arith.constant 0 : i32
    %c0_i32_1 = arith.constant 0 : i32
    return %c0_i32, %c0_i32_0 : i32, i32
  }
  func.func @transform_8(%arg0: i32) -> (i32, i32) {
    %c0_i32 = arith.constant 0 : i32
    %c0_i32_0 = arith.constant 0 : i32
    %c0_i32_1 = arith.constant 0 : i32
    return %c0_i32, %c0_i32_0 : i32, i32
  }
  func.func @transform_9(%arg0: i32) -> (i32, i32) {
    %c0_i32 = arith.constant 0 : i32
    %c0_i32_0 = arith.constant 0 : i32
    %c0_i32_1 = arith.constant 0 : i32
    return %c0_i32, %c0_i32_0 : i32, i32
  }
  func.func @transform_10(%arg0: i32) -> (i32, i32) {
    %c0_i32 = arith.constant 0 : i32
    %c0_i32_0 = arith.constant 0 : i32
    %c0_i32_1 = arith.constant 0 : i32
    return %c0_i32, %c0_i32_0 : i32, i32
  }
  func.func @transform_11(%arg0: i32) -> (i32, i32) {
    %c0_i32 = arith.constant 0 : i32
    %c0_i32_0 = arith.constant 0 : i32
    return %arg0, %c0_i32 : i32, i32
  }
}

module attributes {stable_mosaic.version = 14 : i64} {
  func.func @_object_mlp_body(%arg0: i32, %arg1: memref<2000x2xf32, #tpu.memory_space<vmem>>, %arg2: memref<2000x128xf32, #tpu.memory_space<vmem>>, %arg3: memref<2x100xf32, #tpu.memory_space<vmem>>, %arg4: memref<128x100xf32, #tpu.memory_space<vmem>>, %arg5: memref<1x100xf32, #tpu.memory_space<vmem>>, %arg6: memref<100x2xf32, #tpu.memory_space<vmem>>, %arg7: memref<1x2xf32, #tpu.memory_space<vmem>>, %arg8: memref<2000x2xf32, #tpu.memory_space<vmem>>) attributes {dimension_semantics = [#tpu.dimension_semantics<arbitrary>], iteration_bounds = array<i64: 25>, scalar_prefetch = 0 : i64, scratch_operands = 0 : i64, tpu.core_type = #tpu.core_type<tc>, window_params = [{transform_indices = @transform_0, window_bounds = array<i64: 2000, 2>}, {transform_indices = @transform_1, window_bounds = array<i64: 2000, 128>}, {pipeline_mode = #tpu.pipeline_mode<synchronous>, transform_indices = @transform_2, window_bounds = array<i64: 2, 100>}, {pipeline_mode = #tpu.pipeline_mode<synchronous>, transform_indices = @transform_3, window_bounds = array<i64: 128, 100>}, {pipeline_mode = #tpu.pipeline_mode<synchronous>, transform_indices = @transform_4, window_bounds = array<i64: 1, 100>}, {pipeline_mode = #tpu.pipeline_mode<synchronous>, transform_indices = @transform_5, window_bounds = array<i64: 100, 2>}, {pipeline_mode = #tpu.pipeline_mode<synchronous>, transform_indices = @transform_6, window_bounds = array<i64: 1, 2>}, {transform_indices = @transform_7, window_bounds = array<i64: 2000, 2>}]} {
    %get3A = arith.constant 0 : index
    %get3A_0 = arith.constant 0 : index
    %get3A_1 = vector.load %arg1[%get3A, %get3A_0] : memref<2000x2xf32, #tpu.memory_space<vmem>>, vector<2000x2xf32>
    %get3A_2 = arith.constant 0 : index
    %get3A_3 = arith.constant 0 : index
    %get3A_4 = vector.load %arg3[%get3A_2, %get3A_3] : memref<2x100xf32, #tpu.memory_space<vmem>>, vector<2x100xf32>
    %dot_general3A = arith.constant dense<0.000000e+00> : vector<2000x100xf32>
    %dot_general3A_5 = tpu.matmul %get3A_1, %get3A_4, %dot_general3A {dimension_numbers = #tpu.dot_dimension_numbers<[1], [0], [0], [1], [0, 0, 1, 1], [], []>, transpose_lhs_hint = false} : vector<2000x2xf32>, vector<2x100xf32>, vector<2000x100xf32> -> vector<2000x100xf32>
    %get3A_6 = arith.constant 0 : index
    %get3A_7 = arith.constant 0 : index
    %get3A_8 = vector.load %arg2[%get3A_6, %get3A_7] : memref<2000x128xf32, #tpu.memory_space<vmem>>, vector<2000x128xf32>
    %get3A_9 = arith.constant 0 : index
    %get3A_10 = arith.constant 0 : index
    %get3A_11 = vector.load %arg4[%get3A_9, %get3A_10] : memref<128x100xf32, #tpu.memory_space<vmem>>, vector<128x100xf32>
    %dot_general3A_12 = arith.constant dense<0.000000e+00> : vector<2000x100xf32>
    %dot_general3A_13 = tpu.matmul %get3A_8, %get3A_11, %dot_general3A_12 {dimension_numbers = #tpu.dot_dimension_numbers<[1], [0], [0], [1], [0, 0, 1, 1], [], []>, transpose_lhs_hint = false} : vector<2000x128xf32>, vector<128x100xf32>, vector<2000x100xf32> -> vector<2000x100xf32>
    %add3A = arith.addf %dot_general3A_5, %dot_general3A_13 : vector<2000x100xf32>
    %get3A_14 = arith.constant 0 : index
    %get3A_15 = arith.constant 0 : index
    %get3A_16 = vector.load %arg5[%get3A_14, %get3A_15] : memref<1x100xf32, #tpu.memory_space<vmem>>, vector<1x100xf32>
    %add3A_17 = vector.broadcast %get3A_16 : vector<1x100xf32> to vector<2000x100xf32>
    %add3A_18 = arith.addf %add3A, %add3A_17 : vector<2000x100xf32>
    %max3A = arith.constant 0.000000e+00 : f32
    %max3A_19 = vector.broadcast %max3A : f32 to vector<2000x100xf32>
    %max3A_20 = arith.maximumf %add3A_18, %max3A_19 : vector<2000x100xf32>
    %get3A_21 = arith.constant 0 : index
    %get3A_22 = arith.constant 0 : index
    %get3A_23 = vector.load %arg6[%get3A_21, %get3A_22] : memref<100x2xf32, #tpu.memory_space<vmem>>, vector<100x2xf32>
    %dot_general3A_24 = arith.constant dense<0.000000e+00> : vector<2000x2xf32>
    %dot_general3A_25 = tpu.matmul %max3A_20, %get3A_23, %dot_general3A_24 {dimension_numbers = #tpu.dot_dimension_numbers<[1], [0], [0], [1], [0, 0, 1, 1], [], []>, transpose_lhs_hint = false} : vector<2000x100xf32>, vector<100x2xf32>, vector<2000x2xf32> -> vector<2000x2xf32>
    %get3A_26 = arith.constant 0 : index
    %get3A_27 = arith.constant 0 : index
    %get3A_28 = vector.load %arg7[%get3A_26, %get3A_27] : memref<1x2xf32, #tpu.memory_space<vmem>>, vector<1x2xf32>
    %add3A_29 = vector.broadcast %get3A_28 : vector<1x2xf32> to vector<2000x2xf32>
    %add3A_30 = arith.addf %dot_general3A_25, %add3A_29 : vector<2000x2xf32>
    %swap3A = arith.constant 0 : index
    %swap3A_31 = arith.constant 0 : index
    %swap3A_32 = vector.load %arg8[%swap3A, %swap3A_31] : memref<2000x2xf32, #tpu.memory_space<vmem>>, vector<2000x2xf32>
    tpu.vector_store %arg8[%swap3A, %swap3A_31], %add3A_30 {strides = array<i32>} : memref<2000x2xf32, #tpu.memory_space<vmem>>, vector<2000x2xf32>,
    return
  }
  func.func @transform_0(%arg0: i32) -> (i32, i32) {
    %c0_i32 = arith.constant 0 : i32
    %c0_i32_0 = arith.constant 0 : i32
    return %arg0, %c0_i32 : i32, i32
  }
  func.func @transform_1(%arg0: i32) -> (i32, i32) {
    %c0_i32 = arith.constant 0 : i32
    %c0_i32_0 = arith.constant 0 : i32
    return %arg0, %c0_i32 : i32, i32
  }
  func.func @transform_2(%arg0: i32) -> (i32, i32) {
    %c0_i32 = arith.constant 0 : i32
    %c0_i32_0 = arith.constant 0 : i32
    %c0_i32_1 = arith.constant 0 : i32
    return %c0_i32, %c0_i32_0 : i32, i32
  }
  func.func @transform_3(%arg0: i32) -> (i32, i32) {
    %c0_i32 = arith.constant 0 : i32
    %c0_i32_0 = arith.constant 0 : i32
    %c0_i32_1 = arith.constant 0 : i32
    return %c0_i32, %c0_i32_0 : i32, i32
  }
  func.func @transform_4(%arg0: i32) -> (i32, i32) {
    %c0_i32 = arith.constant 0 : i32
    %c0_i32_0 = arith.constant 0 : i32
    %c0_i32_1 = arith.constant 0 : i32
    return %c0_i32, %c0_i32_0 : i32, i32
  }
  func.func @transform_5(%arg0: i32) -> (i32, i32) {
    %c0_i32 = arith.constant 0 : i32
    %c0_i32_0 = arith.constant 0 : i32
    %c0_i32_1 = arith.constant 0 : i32
    return %c0_i32, %c0_i32_0 : i32, i32
  }
  func.func @transform_6(%arg0: i32) -> (i32, i32) {
    %c0_i32 = arith.constant 0 : i32
    %c0_i32_0 = arith.constant 0 : i32
    %c0_i32_1 = arith.constant 0 : i32
    return %c0_i32, %c0_i32_0 : i32, i32
  }
  func.func @transform_7(%arg0: i32) -> (i32, i32) {
    %c0_i32 = arith.constant 0 : i32
    %c0_i32_0 = arith.constant 0 : i32
    return %arg0, %c0_i32 : i32, i32
  }
}

</mosaic_0001>

<sc_bundles>
// kernel: kernel.6.cloned.1.call-start
scs
__scs_entry_jumppad:
0x0: {  	(pc) =	sbr.rel $0x88, $3  }
0x1: {  	(tag) =	ssettag $0x0;
	lr =	simm.s32 $0x1  }
0x2: {  	[smem:$0x3F93] =	sst lr;
	_ =	strace $0xD0000000  }
0x3: {  	_ = 	snop  }
0x4: {  	_ = 	snop  }
0x5: {  	_ = 	snop  }
0x6: {  	_ = 	snop  }
0x7: {  	_ = 	snop  }
__scs_overlays_trampoline_lowered:
0x8: {  	[smem:$0x3FA2] =	sst s0  }
0x9: {  	[smem:$0x3FA3] =	sst s1  }
0xa: {  	[smem:$0x3FA4] =	sst s2  }
0xb: {  	[smem:$0x3FA5] =	sst s3  }
0xc: {  	[smem:$0x3FA6] =	sst s4  }
0xd: {  	[smem:$0x3FA7] =	sst s5  }
0xe: {  	[smem:$0x3FA8] =	sst s6  }
0xf: {  	[smem:$0x3FA9] =	sst s7  }
0x10: {  	[smem:$0x3FAA] =	sst s8  }
0x11: {  	[smem:$0x3FAB] =	sst s9;
	s0 =	simm.s32 @!p0 $0x0  }
0x12: {  	s1 =	sld [smem:$0x3F91];
	s0 =	simm.s32 @p0 $0x1  }
0x13: {  	[smem:$0x3FAC] =	sst s0;
	s0 =	simm.s32 @!p1 $0x0  }
0x14: {  	s2 =	sld [smem:$0x3F90];
	s0 =	simm.s32 @p1 $0x1  }
0x15: {  	[smem:$0x3FAD] =	sst s0;
	s0 =	simm.s32 @!p2 $0x0  }
0x16: {  	s3 =	sld [smem:$0x3FDB];
	s0 =	simm.s32 @p2 $0x1  }
0x17: {  	s4 =	simm.s32 $0x1BF5;
	[smem:$0x3FAF] =	sst s0  }
0x18: {  	s0 =	sld [smem:$0x3F92];
	_ =	swait.ge [sflag:s4], $0x0  }
0x19: {  	s7 =	sld [smem:$0x3F93]  }
0x1a: {  	s8 =	sadd.s32 $0xFFFFE003, lr  }
0x1b: {  	s9 =	sadd.s32 $0xFFFFFEF7, lr;
	s5 =	simm.s32 $0xFFFFFFFF;
	p2 =	slt.u32 s8, $0xFFFFF086  }
0x1c: {  	p1 =	slt.u32 s9, $0xF7A;
	s5 =	simm.s32 @!p2 $0x0  }
0x1d: {  	s5 =	simm.s32 @p1 $0x1;
	p0 =	seq.s32 s7, s2  }
0x1e: {  	s7 =	smul.u32 @!p0 $0xF7A, s2;
	p2 =	seq.s32 @!p0 s5, $0x0  }
0x1f: {  	s9 =	smul.u32 $0xF7A, s1;
	s8 =	simm.s32 @!p0 $0x1BF5;
	p2 =	por !p2, p0  }
0x20: {  	[sflag:s8] =	ssyncset.s32 @!p0 $0xFFFFF086;
	s6 =	sadd.s32 @!p0 s3, s7;
	s7 =	simm.s32 @!p0 $0x108  }
0x21: {  	s3 =	sadd.s32 s3, s9;
	s6 =	sadd.s32 @!p0 $0x88, s6;
	s7 =	simm.s32 @p2 $0x1082  }
0x22: {  	[simem:s7], [sflag:s8] =	dma.local @!p0 [hbm:s6], $0xF7A  }
0x23: {  	s9 =	sor.u32 $0xD0000000, s2;
	s6 =	simm.s32 $0x108;
	_ =	swait.ge @!p0 [sflag:s8], $0x0  }
0x24: {  	s3 =	sadd.s32 $0x88, s3;
	s6 =	simm.s32 @!p1 $0x1082;
	[sflag:s4] =	ssyncset.s32 $0xFFFFF086  }
0x25: {  	[simem:s6], [sflag:s4] =	dma.local [hbm:s3], $0xF7A  }
0x26: {  	[smem:$0x3F93] =	sst s1;
	(tag) =	ssettag s2;
	_ =	strace s9  }
0x27: {  	s1 =	sld [smem:$0x3FA3]  }
0x28: {  	s2 =	sld [smem:$0x3FA4]  }
0x29: {  	s4 =	sld [smem:$0x3FA6]  }
0x2a: {  	p0 =	seq.s32 s5, $0x0;
	s5 =	sld [smem:$0x3FA7]  }
0x2b: {  	s6 =	sld [smem:$0x3FA8]  }
0x2c: {  	s7 =	sld [smem:$0x3FA9]  }
0x2d: {  	s3 =	simm.s32 $0x108;
	s8 =	sld [smem:$0x3FAA]  }
0x2e: {  	s3 =	simm.s32 @!p0 $0x1082;
	s9 =	sld [smem:$0x3FAB]  }
0x2f: {  	lr =	sadd.s32 s0, s3;
	s0 =	sld [smem:$0x3FA2]  }
0x30: {  	s3 =	sld [smem:$0x3FA5]  }
0x31: {  	[smem:$0x3FAE] =	sst s10  }
0x32: {  	s10 =	sld [smem:$0x3FAC];
	_ =	sdelay $0x3  }
0x33: {  	p0 =	seq.s32 s10, $0x1;
	s10 =	sld [smem:$0x3FAE];
	_ =	sdelay $0x3  }
0x34: {  	[smem:$0x3FAE] =	sst s10  }
0x35: {  	s10 =	sld [smem:$0x3FAD];
	_ =	sdelay $0x3  }
0x36: {  	p1 =	seq.s32 s10, $0x1;
	s10 =	sld [smem:$0x3FAE];
	_ =	sdelay $0x3  }
0x37: {  	[smem:$0x3FAE] =	sst s10  }
0x38: {  	s10 =	sld [smem:$0x3FAF]  }
0x39: {  	_ = 	snop;
	(pc) =	sbr.ind lr, $3  }
0x3a: {  	_ = 	snop  }
0x3b: {  	_ = 	snop  }
0x3c: {  	p2 =	seq.s32 s10, $0x1;
	s10 =	sld [smem:$0x3FAE]  }
0x3d: {  	_ =	shalt  }
0x3e: {  	_ =	shalt  }
0x3f: {  	_ =	shalt  }
0x40: {  	_ =	shalt  }
0x41: {  	_ =	shalt  }
0x42: {  	_ =	shalt  }
0x43: {  	_ =	shalt  }
0x44: {  	_ =	shalt  }
0x45: {  	_ =	shalt  }
0x46: {  	_ =	shalt  }
0x47: {  	_ =	shalt  }
0x48: {  	_ =	shalt  }
0x49: {  	_ =	shalt  }
0x4a: {  	_ =	shalt  }
0x4b: {  	_ =	shalt  }
0x4c: {  	_ =	shalt  }
0x4d: {  	_ =	shalt  }
0x4e: {  	_ =	shalt  }
0x4f: {  	_ =	shalt  }
0x50: {  	_ =	shalt  }
0x51: {  	_ =	shalt  }
0x52: {  	_ =	shalt  }
0x53: {  	_ =	shalt  }
0x54: {  	_ =	shalt  }
0x55: {  	_ =	shalt  }
0x56: {  	_ =	shalt  }
0x57: {  	_ =	shalt  }
0x58: {  	_ =	shalt  }
0x59: {  	_ =	shalt  }
0x5a: {  	_ =	shalt  }
0x5b: {  	_ =	shalt  }
0x5c: {  	_ =	shalt  }
0x5d: {  	_ =	shalt  }
0x5e: {  	_ =	shalt  }
0x5f: {  	_ =	shalt  }
0x60: {  	_ =	shalt  }
0x61: {  	_ =	shalt  }
0x62: {  	_ =	shalt  }
0x63: {  	_ =	shalt  }
0x64: {  	_ =	shalt  }
0x65: {  	_ =	shalt  }
0x66: {  	_ =	shalt  }
0x67: {  	_ =	shalt  }
0x68: {  	_ =	shalt  }
0x69: {  	_ =	shalt  }
0x6a: {  	_ =	shalt  }
0x6b: {  	_ =	shalt  }
0x6c: {  	_ =	shalt  }
0x6d: {  	_ =	shalt  }
0x6e: {  	_ =	shalt  }
0x6f: {  	_ =	shalt  }
0x70: {  	_ =	shalt  }
0x71: {  	_ =	shalt  }
0x72: {  	_ =	shalt  }
0x73: {  	_ =	shalt  }
0x74: {  	_ =	shalt  }
0x75: {  	_ =	shalt  }
0x76: {  	_ =	shalt  }
0x77: {  	_ =	shalt  }
0x78: {  	_ =	shalt  }
0x79: {  	_ =	shalt  }
0x7a: {  	_ =	shalt  }
0x7b: {  	_ =	shalt  }
0x7c: {  	_ =	shalt  }
0x7d: {  	_ =	shalt  }
0x7e: {  	_ =	shalt  }
0x7f: {  	_ =	shalt  }
0x80: {  	_ =	shalt  }
0x81: {  	_ =	shalt  }
0x82: {  	_ =	shalt  }
0x83: {  	_ =	shalt  }
0x84: {  	_ =	shalt  }
0x85: {  	_ =	shalt  }
0x86: {  	_ =	shalt  }
0x87: {  	_ =	shalt  }
.Lfunc_end0:
.L_simem_size_0:
called_computation_lowered:
.L_overlay_start_0:
0x88: {  	s2 =	sld [smem:$0x3FD9]  }
0x89: {  	s3 =	sld [smem:$0x3FFE];
	_ =	sdelay $0x1  }
0x8a: {  	s1 =	srdreg.scid  }
0x8b: {  	s0 =	sand.u32 $0x1, s1  }
0x8c: {  	s16 =	sshll.u32 s0, $0xA;
	s2 =	sadd.s32 s3, s2  }
0x8d: {  	s2 =	sadd.s32 s2, s16  }
0x8e: {  	[smem:$0x3FBA] =	sst s2  }
0x8f: {  	_ = 	snop  }
0x90: {  	(tm) =	ssettm $0x1  }
0x91: {  	s17 =	sld [smem:$0x3FFB];
	_ =	sdelay $0x3  }
0x92: {  	_ =	strace s17  }
0x93: {  	s2 =	sld [smem:$0x3FFC];
	_ =	sdelay $0x3  }
0x94: {  	_ =	strace s2  }
0x95: {  	s2 =	sld [smem:$0x3FFD];
	_ =	sdelay $0x3  }
0x96: {  	_ =	strace s2  }
0x97: {  	_ =	strace $0x8FFFFFFF  }
0x98: {  	s18 =	sld [smem:$0x3FDB];
	_ =	sdelay $0x1  }
0x99: {  	s19 =	simm.s32 $_scs_section_size  }
0x9a: {  	s4 =	simm.s32 $_size__tile_overlayer_lowered;
	s5 =	simm.s32 $_tile_overlayer_lowered  }
0x9b: {  	s22 =	simm.s32 $0x1BFF;
	s21 =	sshll.u32 s5, $0x1;
	s2 =	sadd.s32 s19, s18  }
0x9c: {  	s6 =	simm.s32 $0x0;
	s20 =	sshll.u32 s4, $0x1;
	s4 =	sadd.s32 s21, s2  }
0x9d: {  	[timem:s6], [sflag:s22] =	dma.local [hbm:s4], s20  }
0x9e: {  	_ =	swait.ge [sflag:s22], s20  }
0x9f: {  	s3 =	ssub.s32 $0x0, s20;
	[sflag:s22] =	ssyncset.done $0x0  }
0xa0: {  	[sflag:s22] =	ssyncadd.s32 s3;
	_ =	sdelay $0x1  }
0xa1: {  	s23 =	simm.s32 $0x1B8B  }
0xa2: {  	_ =	swait.ge [sflag:s23], $0x1  }
0xa3: {  	[sflag:s23] =	ssyncset.done $0x0  }
0xa4: {  	s25 =	simm.s32 $0x1B8E;
	s24 =	sld [smem:$0x3FFE];
	[sflag:s23] =	ssyncadd.s32 $0xFFFFFFFF  }
0xa5: {  	s26 =	simm.s32 $execute0_lowered;
	[smem:$0x3FD2] =	sst s25  }
0xa6: {  	s4 =	sshll.u32 s26, $0x1;
	_ =	strace $0x80000046;
	[dreg:$0x1] =	wrdreg $0xFFFFFFFF  }
0xa7: {  	s28 =	simm.s32 $_size_execute0_lowered;
	s2 =	sadd.s32 s2, s4;
	[dreg:$0x0] =	wrdreg $0x0  }
0xa8: {  	s4 =	sshll.u32 s28, $0x1;
	[dreg:$0x2] =	wrdreg s2  }
0xa9: {  	[dreg:$0x3] =	wrdreg s4  }
0xaa: {  	[dreg:$0x4] =	wrdreg $0xC0  }
0xab: {  	_ =	task [dreg:s6], $0x5FFFF  }
0xac: {  	[dreg:$0x1] =	wrdreg $0xFFFFFFFF  }
0xad: {  	[dreg:$0x0] =	wrdreg $0x60  }
0xae: {  	[dreg:$0x2] =	wrdreg s24  }
0xaf: {  	[dreg:$0x3] =	wrdreg $0x9  }
0xb0: {  	_ =	task.clear_ibuf [dreg:s6], $0x4FFFF;
	_ =	strace $0x90000046  }
0xb1: {  	s29 =	simm.s32 $0x9;
	_ =	strace $0x80000048  }
0xb2: {  	_ =	swait.ge [sflag:s29], $0x1  }
0xb3: {  	[sflag:s29] =	ssyncadd.s32 $0xFFFFFFFF  }
0xb4: {  	_ =	strace $0x90000048  }
0xb5: {  	_ =	sfence  }
0xb6: {  	s30 =	sld [smem:$0x0];
	_ =	sdelay $0x2  }
0xb7: {  	s31 =	sshll.u32 s1, $0xD;
	s1 =	sshrl.u32 s1, $0x2  }
0xb8: {  	s3 =	sand.u32 $0x4000, s31;
	s1 =	sadd.s32 s1, s30  }
0xb9: {  	s0 =	sor.u32 s3, s0;
	s1 =	sshll.u32 s1, $0x11  }
0xba: {  	s0 =	sor.u32 s1, s0  }
0xbb: {  	s0 =	sadd.s32 $0x8F2B, s0  }
0xbc: {  	[sflag:s0] =	ssyncadd.remote.s32 $0x1  }
0xbd: {  	_ =	sfence.sel $0xFFFF  }
0xbe: {  	[dreg:$0x0] =	wrdreg $0xFFFFFFFF;
	(pc) =	sbr.abs _section_cstart, $3  }
0xbf: {  	[dreg:$0x1] =	wrdreg $0xFFFFFFFF  }
0xc0: {  	_ =	task.clear_ibuf [dreg:s6], $0x2FFFF;
	_ =	strace $0x9FFFFFFF  }
0xc1: {  	(tm) =	ssettm $0x7FFFFFFF  }
tec
execute0_lowered:
.L_overlay_start_1:
0x0: {  	(tag) =	ssettag $0x1  }
0x1: {  	s8 =	rddreg [dreg:$0x0]  }
0x2: {  	s0 =	rddreg [dreg:$0x1];
	s2 =	simm.s32 $0x0;
	s3 =	srdreg.scid  }
0x3: {  	s1 =	stileid.u32;
	s14 =	simm.s32 $0xC40;
	s15 =	simm.s32 $0x1  }
0x4: {  	s16 =	simm.s32 $0xDC80;
	s17 =	simm.s32 $0xE8C0;
	s18 =	simm.s32 $0x1880  }
0x5: {  	s19 =	simm.s32 $0x7A80;
	s20 =	simm.s32 $0x2;
	s21 =	simm.s32 $0xF500  }
0x6: {  	s22 =	simm.s32 $0x15700;
	s23 =	simm.s32 $0x3;
	s24 =	simm.s32 $0x0  }
0x7: {  	[smem:$0x7FF] =	sst s2;
	s7 =	sand.u32 $0x1, s3;
	s31 =	sshll.u32 s1, $0x1  }
0x8: {  	s3 =	sadd.s32 $0x1BAE00, s8;
	s5 =	sadd.s32 $0x3200, s8;
	s6 =	sadd.s32 $0xF7800, s8  }
.Ltmp0:
0x9: {  	s4 =	sor.u32 s7, s31;
	s9 =	ssub.s32 $0x2, s7;
	(pc) =	sbr.rel .LBB2_1-.Ltmp0, $4  }
0xa: {  	_ =	strace $0x80000047;
	s4 =	smul.u32 $0x6200, s4;
	s10 =	sshrl.u32 s9, $0x1  }
0xb: {  	s7 =	sadd.s32 $0x28B200, s8;
	s8 =	sadd.s32 $0x1C7200, s8;
	s13 =	ssub.s32 s9, s10  }
0xc: {  	s11 =	sshrl.u32 s4, $0x3;
	s12 =	sadd.s32 $0x1880, s4;
	s13 =	smax.u32 s13, $0x1  }
0xd: {  	s9 =	sadd.s32 s5, s11;
	s10 =	sadd.s32 s6, s11;
	s11 =	sadd.s32 $0xC40, s4  }
.LBB2_8:
0xe: {  	_ =	swait.ge [sflag:s23], $0x6200  }
0xf: {  	[sflag:s23] =	ssyncset.done $0x0  }
0x10: {  	[sflag:s23] =	ssyncadd.s32 $0xFFFF9E00  }
0x11: {  	_ =	swait.ge [sflag:s23], $0x6200  }
0x12: {  	[sflag:s23] =	ssyncset.done $0x0  }
0x13: {  	s24 =	sadd.s32 $0x1, s24;
	[sflag:s23] =	ssyncadd.s32 $0xFFFF9E00  }
0x14: {  	p0 =	sne.s32 s24, s13;
	_ =	swait.ge [sflag:s23], $0x6200  }
.Ltmp1:
0x15: {  	[sflag:s23] =	ssyncset.done $0x0;
	(pc) =	sbr.rel @!p0 .LBB2_9-.Ltmp1, $4  }
0x16: {  	[sflag:s23] =	ssyncadd.s32 $0xFFFF9E00  }
0x17: {  	_ =	swait.ge [sflag:s23], $0x6200  }
0x18: {  	[sflag:s23] =	ssyncset.done $0x0  }
0x19: {  	[sflag:s23] =	ssyncadd.s32 $0xFFFF9E00  }
.LBB2_1:
.Ltmp2:
0x1a: {  	(pc) =	sbr.rel .LBB2_2-.Ltmp2, $4  }
0x1b: {  	_ = 	snop  }
0x1c: {  	[tilespmem:s2], [sflag:$0x1] =	stream.linear.gather [hbm4b:s9+s2], $0xC40, $0x38;
	[tilespmem:$0x1B900] =	vst v63  }
0x1d: {  	s28 =	simm.s32 $0x0  }
0x1e: {  	[tilespmem:s14], [sflag:$0x1] =	stream.linear.gather [hbm4b:s10+s2], $0xC40, $0x38;
	[tilespmem:$0x1B900] =	vst v63  }
.LBB2_3:
0x1f: {  	[tilespmem:s21], [sflag:$0x2] =	stream.indirect.gather [hbm4b:s3+s14], $0x8, s16, s14, $0xb8;
	[tilespmem:$0x1B900] =	vst v63  }
0x20: {  	s29 =	simm.s32 $0x1  }
0x21: {  	[tilespmem:s22], [sflag:$0x2] =	stream.indirect.gather [hbm4b:s3+s14], $0x8, s17, s14, $0xb8;
	[tilespmem:$0x1B900] =	vst v63  }
.LBB2_6:
0x22: {  	s26 =	sadd.s32 s26, s12  }
0x23: {  	s26 =	sshrl.u32 s26, $0x3  }
0x24: {  	s28 =	sadd.s32 s5, s26  }
0x25: {  	[tilespmem:s2], [sflag:$0x1] =	stream.linear.gather [hbm4b:s28+s2], $0xC40, $0x38;
	[tilespmem:$0x1B900] =	vst v63  }
0x26: {  	s26 =	sadd.s32 s6, s26  }
0x27: {  	[tilespmem:s14], [sflag:$0x1] =	stream.linear.gather [hbm4b:s26+s2], $0xC40, $0x38;
	[tilespmem:$0x1B900] =	vst v63  }
.LBB2_7:
0x28: {  	_ =	swait.ge [sflag:s20], $0x6200  }
0x29: {  	[sflag:s20] =	ssyncset.done $0x0  }
0x2a: {  	[sflag:s20] =	ssyncadd.s32 $0xFFFF9E00  }
0x2b: {  	p0 =	slt.u32 s29, $0x4;
	_ =	swait.ge [sflag:s20], $0x6200  }
.Ltmp3:
0x2c: {  	[sflag:s20] =	ssyncset.done $0x0;
	(pc) =	sbr.rel @!p0 .LBB2_8-.Ltmp3, $4  }
0x2d: {  	s26 =	sadd.s32 s7, s25;
	[sflag:s20] =	ssyncadd.s32 $0xFFFF9E00  }
0x2e: {  	[hbm4b:s26+s2] =	stream.linear.scatter [tilespmem:s21], [sflag:$0x3], $0x6200, $0x38;
	[tilespmem:$0x1B900] =	vst v63  }
0x2f: {  	s31 =	sadd.s32 s8, s25;
	s28 =	smov.u32 s29  }
0x30: {  	[hbm4b:s31+s2] =	stream.linear.scatter [tilespmem:s22], [sflag:$0x3], $0x6200, $0x38;
	[tilespmem:$0x1B900] =	vst v63  }
.LBB2_2:
0x31: {  	_ =	swait.ge [sflag:s15], $0xC40  }
0x32: {  	s26 =	smul.u32 $0x1880, s28;
	[sflag:s15] =	ssyncset.done $0x0  }
0x33: {  	[sflag:s15] =	ssyncadd.s32 $0xFFFFF3C0  }
0x34: {  	s25 =	sadd.s32 s26, s11;
	_ =	swait.ge [sflag:s15], $0xC40  }
0x35: {  	s29 =	sshrl.u32 s25, $0x3;
	[sflag:s15] =	ssyncset.done $0x0  }
0x36: {  	s30 =	sadd.s32 s5, s29;
	[sflag:s15] =	ssyncadd.s32 $0xFFFFF3C0  }
0x37: {  	[tilespmem:s16], [sflag:$0x1] =	stream.linear.gather [hbm4b:s30+s2], $0xC40, $0x38;
	[tilespmem:$0x1B900] =	vst v63  }
0x38: {  	p0 =	seq.s32 s28, $0x0;
	s29 =	sadd.s32 s6, s29  }
0x39: {  	[tilespmem:s17], [sflag:$0x1] =	stream.linear.gather [hbm4b:s29+s2], $0xC40, $0x38;
	[tilespmem:$0x1B900] =	vst v63  }
0x3a: {  	s29 =	simm.s32 @!p0 $0x3  }
0x3b: {  	_ =	swait.ge @!p0 [sflag:s29], $0x6200  }
0x3c: {  	[sflag:s29] =	ssyncset.done @!p0 $0x0  }
0x3d: {  	[sflag:s29] =	ssyncadd.s32 @!p0 $0xFFFF9E00  }
0x3e: {  	_ =	swait.ge @!p0 [sflag:s29], $0x6200  }
0x3f: {  	[sflag:s29] =	ssyncset.done @!p0 $0x0  }
0x40: {  	[sflag:s29] =	ssyncadd.s32 @!p0 $0xFFFF9E00  }
0x41: {  	[tilespmem:s18], [sflag:$0x2] =	stream.indirect.gather [hbm4b:s3+s14], $0x8, s2, s14, $0xb8;
	[tilespmem:$0x1B900] =	vst v63  }
0x42: {  	_ = 	snop  }
0x43: {  	[tilespmem:s19], [sflag:$0x2] =	stream.indirect.gather [hbm4b:s3+s14], $0x8, s14, s14, $0xb8;
	[tilespmem:$0x1B900] =	vst v63  }
0x44: {  	_ =	swait.ge [sflag:s15], $0xC40  }
0x45: {  	[sflag:s15] =	ssyncset.done $0x0  }
0x46: {  	[sflag:s15] =	ssyncadd.s32 $0xFFFFF3C0  }
0x47: {  	_ =	swait.ge [sflag:s15], $0xC40  }
0x48: {  	[sflag:s15] =	ssyncset.done $0x0  }
0x49: {  	[sflag:s15] =	ssyncadd.s32 $0xFFFFF3C0  }
0x4a: {  	_ =	swait.ge [sflag:s20], $0x6200  }
0x4b: {  	[sflag:s20] =	ssyncset.done $0x0  }
0x4c: {  	[sflag:s20] =	ssyncadd.s32 $0xFFFF9E00  }
0x4d: {  	p0 =	sne.s32 s28, $0x0;
	_ =	swait.ge [sflag:s20], $0x6200  }
.Ltmp4:
0x4e: {  	s29 =	sadd.s32 s4, s26;
	[sflag:s20] =	ssyncset.done $0x0;
	(pc) =	sbr.rel @!p0 .LBB2_3-.Ltmp4, $4  }
0x4f: {  	s31 =	sadd.s32 s7, s29;
	[sflag:s20] =	ssyncadd.s32 $0xFFFF9E00  }
0x50: {  	[hbm4b:s31+s2] =	stream.linear.scatter [tilespmem:s18], [sflag:$0x3], $0x6200, $0x38;
	[tilespmem:$0x1B900] =	vst v63  }
0x51: {  	s29 =	sadd.s32 s8, s29  }
0x52: {  	[hbm4b:s29+s2] =	stream.linear.scatter [tilespmem:s19], [sflag:$0x3], $0x6200, $0x38;
	[tilespmem:$0x1B900] =	vst v63  }
0x53: {  	_ =	swait.ge [sflag:s23], $0x6200  }
0x54: {  	[sflag:s23] =	ssyncset.done $0x0  }
0x55: {  	[sflag:s23] =	ssyncadd.s32 $0xFFFF9E00  }
0x56: {  	p0 =	seq.s32 s28, $0x3;
	_ =	swait.ge [sflag:s23], $0x6200  }
.Ltmp5:
0x57: {  	[sflag:s23] =	ssyncset.done $0x0;
	(pc) =	sbr.rel @p0 .LBB2_7-.Ltmp5, $4  }
0x58: {  	[sflag:s23] =	ssyncadd.s32 $0xFFFF9E00  }
0x59: {  	[tilespmem:s21], [sflag:$0x2] =	stream.indirect.gather [hbm4b:s3+s14], $0x8, s16, s14, $0xb8;
	[tilespmem:$0x1B900] =	vst v63  }
0x5a: {  	s29 =	simm.s32 $0x4  }
0x5b: {  	[tilespmem:s22], [sflag:$0x2] =	stream.indirect.gather [hbm4b:s3+s14], $0x8, s17, s14, $0xb8;
	[tilespmem:$0x1B900] =	vst v63  }
.Ltmp6:
0x5c: {  	(pc) =	sbr.rel .LBB2_6-.Ltmp6, $2  }
0x5d: {  	_ =	sdelay $0x2  }
0x5e: {  	s29 =	sadd.s32 $0x1, s28  }
.LBB2_9:
0x5f: {  	_ =	sfence.sel $0x180000  }
0x60: {  	[bflag:$0x0] =	sbarrier.arrive $0xFFFF  }
0x61: {  	p0 =	sne.s32 s1, $0x0;
	_ =	strace $0x90000047  }
0x62: {  	s0 =	sadd.s32 @!p0 $0x100000, s0;
	[bflag:$0x2] =	sbarrier.arrive $0xFFFF  }
0x63: {  	[sflag:s0] =	ssyncadd.tile.s32 @!p0 $0x1;
	_ =	shalt  }
.Lfunc_end2:
_tile_overlayer_lowered:
.L_overlay_start_2:
0x64: {  	(tag) =	ssettag $0x2  }
0x65: {  	s0 =	rddreg [dreg:$0x0];
	s2 =	stileid.u32  }
0x66: {  	s1 =	rddreg [dreg:$0x1];
	p0 =	sne.s32 s2, $0x0  }
0x67: {  	s3 =	rddreg [dreg:$0x2];
	[bflag:$0x3] =	sbarrier.arrive $0xFFFF;
	s2 =	simm.s32 @!p0 $0x1C04  }
0x68: {  	[timem:s3], [sflag:s2] =	dma.local @!p0 [hbm:s0], s1  }
0x69: {  	s0 =	simm.s32 @!p0 $0x4  }
0x6a: {  	_ =	swait.ge @!p0 [sflag:s0], s1  }
0x6b: {  	s1 =	ssub.s32 @!p0 $0x0, s1;
	[sflag:s0] =	ssyncset.done @!p0 $0x0  }
0x6c: {  	[sflag:s0] =	ssyncadd.s32 @!p0 s1  }
0x6d: {  	[bflag:$0x3] =	sbarrier.arrive $0xFFFF  }
0x6e: {  	_ =	shalt  }

// kernel: kernel.9.cloned.1.call-start
scs
__scs_entry_jumppad:
0x0: {  	(pc) =	sbr.rel $0x88, $3  }
0x1: {  	(tag) =	ssettag $0x0;
	lr =	simm.s32 $0x1  }
0x2: {  	[smem:$0x3F93] =	sst lr;
	_ =	strace $0xD0000000  }
0x3: {  	_ = 	snop  }
0x4: {  	_ = 	snop  }
0x5: {  	_ = 	snop  }
0x6: {  	_ = 	snop  }
0x7: {  	_ = 	snop  }
__scs_overlays_trampoline_lowered:
0x8: {  	[smem:$0x3FA2] =	sst s0  }
0x9: {  	[smem:$0x3FA3] =	sst s1  }
0xa: {  	[smem:$0x3FA4] =	sst s2  }
0xb: {  	[smem:$0x3FA5] =	sst s3  }
0xc: {  	[smem:$0x3FA6] =	sst s4  }
0xd: {  	[smem:$0x3FA7] =	sst s5  }
0xe: {  	[smem:$0x3FA8] =	sst s6  }
0xf: {  	[smem:$0x3FA9] =	sst s7  }
0x10: {  	[smem:$0x3FAA] =	sst s8  }
0x11: {  	[smem:$0x3FAB] =	sst s9;
	s0 =	simm.s32 @!p0 $0x0  }
0x12: {  	s1 =	sld [smem:$0x3F91];
	s0 =	simm.s32 @p0 $0x1  }
0x13: {  	[smem:$0x3FAC] =	sst s0;
	s0 =	simm.s32 @!p1 $0x0  }
0x14: {  	s2 =	sld [smem:$0x3F90];
	s0 =	simm.s32 @p1 $0x1  }
0x15: {  	[smem:$0x3FAD] =	sst s0;
	s0 =	simm.s32 @!p2 $0x0  }
0x16: {  	s3 =	sld [smem:$0x3FDB];
	s0 =	simm.s32 @p2 $0x1  }
0x17: {  	s4 =	simm.s32 $0x1BF5;
	[smem:$0x3FAF] =	sst s0  }
0x18: {  	s0 =	sld [smem:$0x3F92];
	_ =	swait.ge [sflag:s4], $0x0  }
0x19: {  	s7 =	sld [smem:$0x3F93]  }
0x1a: {  	s8 =	sadd.s32 $0xFFFFE003, lr  }
0x1b: {  	s9 =	sadd.s32 $0xFFFFFEF7, lr;
	s5 =	simm.s32 $0xFFFFFFFF;
	p2 =	slt.u32 s8, $0xFFFFF086  }
0x1c: {  	p1 =	slt.u32 s9, $0xF7A;
	s5 =	simm.s32 @!p2 $0x0  }
0x1d: {  	s5 =	simm.s32 @p1 $0x1;
	p0 =	seq.s32 s7, s2  }
0x1e: {  	s7 =	smul.u32 @!p0 $0xF7A, s2;
	p2 =	seq.s32 @!p0 s5, $0x0  }
0x1f: {  	s9 =	smul.u32 $0xF7A, s1;
	s8 =	simm.s32 @!p0 $0x1BF5;
	p2 =	por !p2, p0  }
0x20: {  	[sflag:s8] =	ssyncset.s32 @!p0 $0xFFFFF086;
	s6 =	sadd.s32 @!p0 s3, s7;
	s7 =	simm.s32 @!p0 $0x108  }
0x21: {  	s3 =	sadd.s32 s3, s9;
	s6 =	sadd.s32 @!p0 $0x88, s6;
	s7 =	simm.s32 @p2 $0x1082  }
0x22: {  	[simem:s7], [sflag:s8] =	dma.local @!p0 [hbm:s6], $0xF7A  }
0x23: {  	s9 =	sor.u32 $0xD0000000, s2;
	s6 =	simm.s32 $0x108;
	_ =	swait.ge @!p0 [sflag:s8], $0x0  }
0x24: {  	s3 =	sadd.s32 $0x88, s3;
	s6 =	simm.s32 @!p1 $0x1082;
	[sflag:s4] =	ssyncset.s32 $0xFFFFF086  }
0x25: {  	[simem:s6], [sflag:s4] =	dma.local [hbm:s3], $0xF7A  }
0x26: {  	[smem:$0x3F93] =	sst s1;
	(tag) =	ssettag s2;
	_ =	strace s9  }
0x27: {  	s1 =	sld [smem:$0x3FA3]  }
0x28: {  	s2 =	sld [smem:$0x3FA4]  }
0x29: {  	s4 =	sld [smem:$0x3FA6]  }
0x2a: {  	p0 =	seq.s32 s5, $0x0;
	s5 =	sld [smem:$0x3FA7]  }
0x2b: {  	s6 =	sld [smem:$0x3FA8]  }
0x2c: {  	s7 =	sld [smem:$0x3FA9]  }
0x2d: {  	s3 =	simm.s32 $0x108;
	s8 =	sld [smem:$0x3FAA]  }
0x2e: {  	s3 =	simm.s32 @!p0 $0x1082;
	s9 =	sld [smem:$0x3FAB]  }
0x2f: {  	lr =	sadd.s32 s0, s3;
	s0 =	sld [smem:$0x3FA2]  }
0x30: {  	s3 =	sld [smem:$0x3FA5]  }
0x31: {  	[smem:$0x3FAE] =	sst s10  }
0x32: {  	s10 =	sld [smem:$0x3FAC];
	_ =	sdelay $0x3  }
0x33: {  	p0 =	seq.s32 s10, $0x1;
	s10 =	sld [smem:$0x3FAE];
	_ =	sdelay $0x3  }
0x34: {  	[smem:$0x3FAE] =	sst s10  }
0x35: {  	s10 =	sld [smem:$0x3FAD];
	_ =	sdelay $0x3  }
0x36: {  	p1 =	seq.s32 s10, $0x1;
	s10 =	sld [smem:$0x3FAE];
	_ =	sdelay $0x3  }
0x37: {  	[smem:$0x3FAE] =	sst s10  }
0x38: {  	s10 =	sld [smem:$0x3FAF]  }
0x39: {  	_ = 	snop;
	(pc) =	sbr.ind lr, $3  }
0x3a: {  	_ = 	snop  }
0x3b: {  	_ = 	snop  }
0x3c: {  	p2 =	seq.s32 s10, $0x1;
	s10 =	sld [smem:$0x3FAE]  }
0x3d: {  	_ =	shalt  }
0x3e: {  	_ =	shalt  }
0x3f: {  	_ =	shalt  }
0x40: {  	_ =	shalt  }
0x41: {  	_ =	shalt  }
0x42: {  	_ =	shalt  }
0x43: {  	_ =	shalt  }
0x44: {  	_ =	shalt  }
0x45: {  	_ =	shalt  }
0x46: {  	_ =	shalt  }
0x47: {  	_ =	shalt  }
0x48: {  	_ =	shalt  }
0x49: {  	_ =	shalt  }
0x4a: {  	_ =	shalt  }
0x4b: {  	_ =	shalt  }
0x4c: {  	_ =	shalt  }
0x4d: {  	_ =	shalt  }
0x4e: {  	_ =	shalt  }
0x4f: {  	_ =	shalt  }
0x50: {  	_ =	shalt  }
0x51: {  	_ =	shalt  }
0x52: {  	_ =	shalt  }
0x53: {  	_ =	shalt  }
0x54: {  	_ =	shalt  }
0x55: {  	_ =	shalt  }
0x56: {  	_ =	shalt  }
0x57: {  	_ =	shalt  }
0x58: {  	_ =	shalt  }
0x59: {  	_ =	shalt  }
0x5a: {  	_ =	shalt  }
0x5b: {  	_ =	shalt  }
0x5c: {  	_ =	shalt  }
0x5d: {  	_ =	shalt  }
0x5e: {  	_ =	shalt  }
0x5f: {  	_ =	shalt  }
0x60: {  	_ =	shalt  }
0x61: {  	_ =	shalt  }
0x62: {  	_ =	shalt  }
0x63: {  	_ =	shalt  }
0x64: {  	_ =	shalt  }
0x65: {  	_ =	shalt  }
0x66: {  	_ =	shalt  }
0x67: {  	_ =	shalt  }
0x68: {  	_ =	shalt  }
0x69: {  	_ =	shalt  }
0x6a: {  	_ =	shalt  }
0x6b: {  	_ =	shalt  }
0x6c: {  	_ =	shalt  }
0x6d: {  	_ =	shalt  }
0x6e: {  	_ =	shalt  }
0x6f: {  	_ =	shalt  }
0x70: {  	_ =	shalt  }
0x71: {  	_ =	shalt  }
0x72: {  	_ =	shalt  }
0x73: {  	_ =	shalt  }
0x74: {  	_ =	shalt  }
0x75: {  	_ =	shalt  }
0x76: {  	_ =	shalt  }
0x77: {  	_ =	shalt  }
0x78: {  	_ =	shalt  }
0x79: {  	_ =	shalt  }
0x7a: {  	_ =	shalt  }
0x7b: {  	_ =	shalt  }
0x7c: {  	_ =	shalt  }
0x7d: {  	_ =	shalt  }
0x7e: {  	_ =	shalt  }
0x7f: {  	_ =	shalt  }
0x80: {  	_ =	shalt  }
0x81: {  	_ =	shalt  }
0x82: {  	_ =	shalt  }
0x83: {  	_ =	shalt  }
0x84: {  	_ =	shalt  }
0x85: {  	_ =	shalt  }
0x86: {  	_ =	shalt  }
0x87: {  	_ =	shalt  }
.Lfunc_end0:
.L_simem_size_0:
called_computation.1_lowered:
.L_overlay_start_0:
0x88: {  	s2 =	sld [smem:$0x3FD9]  }
0x89: {  	s3 =	sld [smem:$0x3FFE];
	_ =	sdelay $0x1  }
0x8a: {  	s1 =	srdreg.scid  }
0x8b: {  	s0 =	sand.u32 $0x1, s1  }
0x8c: {  	s16 =	sshll.u32 s0, $0xA;
	s2 =	sadd.s32 s3, s2  }
0x8d: {  	s2 =	sadd.s32 s2, s16  }
0x8e: {  	[smem:$0x3FBA] =	sst s2  }
0x8f: {  	_ = 	snop  }
0x90: {  	(tm) =	ssettm $0x1  }
0x91: {  	s17 =	sld [smem:$0x3FFB];
	_ =	sdelay $0x3  }
0x92: {  	_ =	strace s17  }
0x93: {  	s2 =	sld [smem:$0x3FFC];
	_ =	sdelay $0x3  }
0x94: {  	_ =	strace s2  }
0x95: {  	s2 =	sld [smem:$0x3FFD];
	_ =	sdelay $0x3  }
0x96: {  	_ =	strace s2  }
0x97: {  	_ =	strace $0x8FFFFFFF  }
0x98: {  	s18 =	sld [smem:$0x3FDB];
	_ =	sdelay $0x1  }
0x99: {  	s19 =	simm.s32 $_scs_section_size  }
0x9a: {  	s4 =	simm.s32 $_size__tile_overlayer_lowered;
	s5 =	simm.s32 $_tile_overlayer_lowered  }
0x9b: {  	s22 =	simm.s32 $0x1BFF;
	s21 =	sshll.u32 s5, $0x1;
	s2 =	sadd.s32 s19, s18  }
0x9c: {  	s6 =	simm.s32 $0x0;
	s20 =	sshll.u32 s4, $0x1;
	s4 =	sadd.s32 s21, s2  }
0x9d: {  	[timem:s6], [sflag:s22] =	dma.local [hbm:s4], s20  }
0x9e: {  	_ =	swait.ge [sflag:s22], s20  }
0x9f: {  	s3 =	ssub.s32 $0x0, s20;
	[sflag:s22] =	ssyncset.done $0x0  }
0xa0: {  	[sflag:s22] =	ssyncadd.s32 s3;
	_ =	sdelay $0x1  }
0xa1: {  	s23 =	simm.s32 $0x1B8B  }
0xa2: {  	_ =	swait.ge [sflag:s23], $0x1  }
0xa3: {  	[sflag:s23] =	ssyncset.done $0x0  }
0xa4: {  	s25 =	simm.s32 $0x1B8E;
	s24 =	sld [smem:$0x3FFE];
	[sflag:s23] =	ssyncadd.s32 $0xFFFFFFFF  }
0xa5: {  	s26 =	simm.s32 $execute0_lowered;
	[smem:$0x3FD2] =	sst s25  }
0xa6: {  	s4 =	sshll.u32 s26, $0x1;
	_ =	strace $0x80000049;
	[dreg:$0x1] =	wrdreg $0xFFFFFFFF  }
0xa7: {  	s28 =	simm.s32 $_size_execute0_lowered;
	s2 =	sadd.s32 s2, s4;
	[dreg:$0x0] =	wrdreg $0x0  }
0xa8: {  	s4 =	sshll.u32 s28, $0x1;
	[dreg:$0x2] =	wrdreg s2  }
0xa9: {  	[dreg:$0x3] =	wrdreg s4  }
0xaa: {  	[dreg:$0x4] =	wrdreg $0xC0  }
0xab: {  	_ =	task [dreg:s6], $0x5FFFF  }
0xac: {  	[dreg:$0x1] =	wrdreg $0xFFFFFFFF  }
0xad: {  	[dreg:$0x0] =	wrdreg $0x60  }
0xae: {  	[dreg:$0x2] =	wrdreg s24  }
0xaf: {  	[dreg:$0x3] =	wrdreg $0x0  }
0xb0: {  	[dreg:$0x4] =	wrdreg $0x9  }
0xb1: {  	_ =	task.clear_ibuf [dreg:s6], $0x5FFFF;
	_ =	strace $0x90000049  }
0xb2: {  	s29 =	simm.s32 $0x9;
	_ =	strace $0x8000004B  }
0xb3: {  	_ =	swait.ge [sflag:s29], $0x1  }
0xb4: {  	[sflag:s29] =	ssyncadd.s32 $0xFFFFFFFF  }
0xb5: {  	_ =	strace $0x9000004B  }
0xb6: {  	_ =	sfence  }
0xb7: {  	s30 =	sld [smem:$0x0];
	_ =	sdelay $0x2  }
0xb8: {  	s31 =	sshll.u32 s1, $0xD;
	s1 =	sshrl.u32 s1, $0x2  }
0xb9: {  	s3 =	sand.u32 $0x4000, s31;
	s1 =	sadd.s32 s1, s30  }
0xba: {  	s0 =	sor.u32 s3, s0;
	s1 =	sshll.u32 s1, $0x11  }
0xbb: {  	s0 =	sor.u32 s1, s0  }
0xbc: {  	s0 =	sadd.s32 $0x8F2B, s0  }
0xbd: {  	[sflag:s0] =	ssyncadd.remote.s32 $0x1  }
0xbe: {  	_ =	sfence.sel $0xFFFF  }
0xbf: {  	[dreg:$0x0] =	wrdreg $0xFFFFFFFF;
	(pc) =	sbr.abs _section_cstart, $3  }
0xc0: {  	[dreg:$0x1] =	wrdreg $0xFFFFFFFF  }
0xc1: {  	_ =	task.clear_ibuf [dreg:s6], $0x2FFFF;
	_ =	strace $0x9FFFFFFF  }
0xc2: {  	(tm) =	ssettm $0x7FFFFFFF  }
0xc3: {  	_ =	shalt  }
tec
execute0_lowered:
.L_overlay_start_1:
0x0: {  	(tag) =	ssettag $0x1  }
0x1: {  	s0 =	rddreg [dreg:$0x0]  }
0x2: {  	s1 =	rddreg [dreg:$0x1];
	s3 =	simm.s32 $0x0  }
0x3: {  	s17 =	stileid.u32;
	s2 =	srdreg.scid;
	s29 =	simm.s32 $0x3  }
0x4: {  	s30 =	simm.s32 $0x186B0;
	s31 =	simm.s32 $0x20;
	s5 =	smul.u32 $0x61A80, s17  }
0x5: {  	[smem:$0x7FF] =	sst s3;
	s8 =	sadd.s32 $0x1BCF200, s0;
	s11 =	smul.u32 $0xC400, s17  }
0x6: {  	s9 =	sadd.s32 $0x1BA00, s0;
	s4 =	sadd.s32 $0x3200, s0;
	s13 =	smul.u32 $0xC4000, s17  }
0x7: {  	s2 =	sand.u32 $0x1, s2;
	s25 =	sadd.s32 $0x1BCF208, s0;
	s26 =	sadd.s32 $0x1BCF204, s0  }
0x8: {  	_ =	strace $0x8000004A;
	s6 =	ssub.s32 $0x2, s2;
	p0 =	seq.s32 s2, $0x1  }
0x9: {  	s7 =	sshrl.u32 s5, $0x3;
	s10 =	sshrl.u32 s6, $0x1;
	s23 =	sshrl.u32 s5, $0x2  }
0xa: {  	s24 =	sshrl.u32 s11, $0x3;
	s14 =	sor.u32 $0x200, s11;
	s15 =	sadd.s32 s13, s25  }
0xb: {  	s11 =	sor.u32 $0x100, s11;
	s16 =	sadd.s32 s13, s26;
	s12 =	sadd.s32 s7, s0  }
0xc: {  	s7 =	sadd.s32 s8, s13;
	[dreg:$0x3] =	wrdreg s15;
	s0 =	sadd.s32 $0x1BCF20C, s0  }
0xd: {  	[dreg:$0x4] =	wrdreg s16;
	s28 =	sshll.u32 s11, $0x4;
	s13 =	sadd.s32 s13, s0  }
0xe: {  	s19 =	sshll.u32 s14, $0x4;
	s18 =	sadd.s32 s8, s28;
	[dreg:$0x5] =	wrdreg s13  }
0xf: {  	s10 =	ssub.s32 s6, s10;
	s8 =	sadd.s32 s8, s19;
	[dreg:$0x6] =	wrdreg s18  }
0x10: {  	s5 =	sadd.s32 s23, s1;
	s20 =	sadd.s32 s28, s25;
	[dreg:$0x7] =	wrdreg s8  }
0x11: {  	s6 =	sadd.s32 s9, s24;
	s2 =	sadd.s32 s19, s25;
	[dreg:$0x8] =	wrdreg s20  }
0x12: {  	s11 =	sshrl.u32 s11, $0x3;
	s21 =	sadd.s32 s28, s26;
	[dreg:$0x9] =	wrdreg s2  }
0x13: {  	s14 =	sshrl.u32 s14, $0x3;
	s22 =	sadd.s32 s19, s26;
	[dreg:$0xa] =	wrdreg s21  }
0x14: {  	s24 =	smul.u32 $0x1880, s17;
	s23 =	sadd.s32 s28, s0;
	[dreg:$0xb] =	wrdreg s22  }
0x15: {  	s15 =	simm.s32 $0x0;
	s0 =	sadd.s32 s19, s0;
	[dreg:$0xc] =	wrdreg s23  }
0x16: {  	s25 =	sadd.s32 $0xF7800, s12;
	s26 =	sadd.s32 $0xF7804, s12;
	[dreg:$0xd] =	wrdreg s0  }
0x17: {  	s28 =	sshll.u32 s17, $0x6;
	[dreg:$0xe] =	wrdreg s25;
	s20 =	sadd.s32 s9, s11  }
0x18: {  	s21 =	sadd.s32 s9, s14;
	s0 =	sadd.s32 s24, s9;
	s22 =	sadd.s32 $0xF7808, s12  }
.Ltmp0:
0x19: {  	[dreg:$0xf] =	wrdreg s26;
	s24 =	sadd.s32 $0xF780C, s12;
	(pc) =	sbr.rel .LBB2_1-.Ltmp0, $4  }
0x1a: {  	s25 =	smax.u32 s10, $0x1;
	s26 =	sor.u32 $0x1C03, s28;
	s2 =	simm.s32 $0x187B0  }
0x1b: {  	s8 =	simm.s32 $0x1A7B0;
	s9 =	simm.s32 $0x1A8B0;
	s10 =	simm.s32 $0x1  }
0x1c: {  	s11 =	simm.s32 $0x100;
	s12 =	simm.s32 $0x2;
	s13 =	simm.s32 $0x10  }
0x1d: {  	s14 =	simm.s32 $0x4;
	s18 =	sadd.s32 $0x80, s0;
	s0 =	simm.s32 $0x80  }
.LBB2_17:
0x1e: {  	s17 =	smov.u32 s24  }
0x1f: {  	[spmem:s1] =	stream.indirect.scatter.add.f32 [tilespmem:s9], [sflag:$0x2], $0x20, s8, s11, $0xb8;
	[tilespmem:$0x1C8B0] =	vst v63  }
.LBB2_20:
0x20: {  	_ =	swait.ge [sflag:s12], $0x2000  }
0x21: {  	[sflag:s12] =	ssyncset.done $0x0  }
0x22: {  	s15 =	sadd.s32 $0x1, s15;
	[sflag:s12] =	ssyncadd.s32 $0xFFFFE000  }
0x23: {  	p1 =	sne.s32 s15, s25;
	[bflag:$0x0] =	sbarrier.arrive $0xFFFF  }
0x24: {  	[hbm:s17@s13], [sflag:s26] =	dma.strided [spmem:s16@s14], $0x30D4, s10, $0x4   }
.Ltmp1:
0x25: {  	_ =	swait.ge [sflag:s29], $0x30D4;
	(pc) =	sbr.rel @!p1 .LBB2_21-.Ltmp1, $3  }
0x26: {  	[sflag:s29] =	ssyncset.done $0x0  }
0x27: {  	[sflag:s29] =	ssyncadd.s32 $0xFFFFCF2C  }
0x28: {  	[bflag:$0x0] =	sbarrier.arrive $0xFFFF;
	_ =	sdelay $0x1  }
.LBB2_1:
0x29: {  	s16 =	sshrl.u32 s5, $0x3  }
0x2a: {  	[spmem:s16], [sflag:s26] =	dma.local [hbm:s4], $0x30D4  }
.Ltmp2:
0x2b: {  	_ =	swait.ge [sflag:s29], $0x30D4;
	(pc) =	sbr.rel @!p0 .LBB2_2-.Ltmp2, $4  }
0x2c: {  	[sflag:s29] =	ssyncset.done $0x0  }
0x2d: {  	[sflag:s29] =	ssyncadd.s32 $0xFFFFCF2C  }
0x2e: {  	[bflag:$0x0] =	sbarrier.arrive $0xFFFF  }
0x2f: {  	[tilespmem:s30], [sflag:$0x1] =	stream.linear.gather [hbm4b:s6+s3], $0x100, $0x38;
	[tilespmem:$0x1C8B0] =	vst v63  }
0x30: {  	s17 =	rddreg [dreg:$0x4]  }
0x31: {  	[tilespmem:s2], [sflag:$0x1] =	stream.strided.gather [hbm4b:s17+s31], $0x2000, s0, s31, $0x38;
	[tilespmem:$0x1C8B0] =	vst v63  }
0x32: {  	s17 =	simm.s32 $0x0  }
0x33: {  	[tilespmem:s8], [sflag:$0x1] =	stream.linear.gather [hbm4b:s20+s17], $0x100, $0x38;
	[tilespmem:$0x1C8B0] =	vst v63  }
0x34: {  	s19 =	rddreg [dreg:$0xa]  }
0x35: {  	[tilespmem:s9], [sflag:$0x1] =	stream.strided.gather [hbm4b:s19+s31], $0x2000, s0, s31, $0x38;
	[tilespmem:$0x1C8B0] =	vst v63  }
0x36: {  	_ =	swait.ge [sflag:s10], $0x100  }
0x37: {  	[sflag:s10] =	ssyncset.done $0x0  }
0x38: {  	[sflag:s10] =	ssyncadd.s32 $0xFFFFFF00  }
0x39: {  	_ =	swait.ge [sflag:s10], $0x2000  }
0x3a: {  	[sflag:s10] =	ssyncset.done $0x0  }
0x3b: {  	[sflag:s10] =	ssyncadd.s32 $0xFFFFE000  }
0x3c: {  	[spmem:s1] =	stream.indirect.scatter.add.f32 [tilespmem:s2], [sflag:$0x2], $0x20, s30, s11, $0xb8;
	[tilespmem:$0x1C8B0] =	vst v63  }
0x3d: {  	_ =	swait.ge [sflag:s10], $0x100  }
0x3e: {  	[sflag:s10] =	ssyncset.done $0x0  }
0x3f: {  	[sflag:s10] =	ssyncadd.s32 $0xFFFFFF00  }
0x40: {  	_ =	swait.ge [sflag:s10], $0x2000  }
0x41: {  	[sflag:s10] =	ssyncset.done $0x0  }
0x42: {  	[sflag:s10] =	ssyncadd.s32 $0xFFFFE000  }
0x43: {  	_ =	swait.ge [sflag:s12], $0x2000  }
0x44: {  	[sflag:s12] =	ssyncset.done $0x0  }
0x45: {  	[sflag:s12] =	ssyncadd.s32 $0xFFFFE000  }
0x46: {  	[tilespmem:s30], [sflag:$0x1] =	stream.linear.gather [hbm4b:s21+s17], $0x100, $0x38;
	[tilespmem:$0x1C8B0] =	vst v63  }
0x47: {  	s23 =	rddreg [dreg:$0xb]  }
0x48: {  	[tilespmem:s2], [sflag:$0x1] =	stream.strided.gather [hbm4b:s23+s31], $0x2000, s0, s31, $0x38;
	[tilespmem:$0x1C8B0] =	vst v63  }
0x49: {  	s28 =	smov.u32 s18  }
0x4a: {  	[spmem:s1] =	stream.indirect.scatter.add.f32 [tilespmem:s9], [sflag:$0x2], $0x20, s8, s11, $0xb8;
	[tilespmem:$0x1C8B0] =	vst v63  }
.LBB2_12:
0x4b: {  	_ =	swait.ge [sflag:s12], $0x2000  }
0x4c: {  	[sflag:s12] =	ssyncset.done $0x0  }
0x4d: {  	s19 =	sadd.s32 $0xFFFFFFE0, s28;
	[sflag:s12] =	ssyncadd.s32 $0xFFFFE000  }
0x4e: {  	[tilespmem:s8], [sflag:$0x1] =	stream.linear.gather [hbm4b:s19+s3], $0x100, $0x38;
	[tilespmem:$0x1C8B0] =	vst v63  }
0x4f: {  	s19 =	sadd.s32 s17, s7  }
0x50: {  	s23 =	sadd.s32 $0x3004, s19  }
0x51: {  	[tilespmem:s9], [sflag:$0x1] =	stream.strided.gather [hbm4b:s23+s31], $0x2000, s0, s31, $0x38;
	[tilespmem:$0x1C8B0] =	vst v63  }
0x52: {  	_ =	swait.ge [sflag:s10], $0x100  }
0x53: {  	[sflag:s10] =	ssyncset.done $0x0  }
0x54: {  	[sflag:s10] =	ssyncadd.s32 $0xFFFFFF00  }
0x55: {  	_ =	swait.ge [sflag:s10], $0x2000  }
0x56: {  	[sflag:s10] =	ssyncset.done $0x0  }
0x57: {  	[sflag:s10] =	ssyncadd.s32 $0xFFFFE000  }
0x58: {  	[spmem:s1] =	stream.indirect.scatter.add.f32 [tilespmem:s2], [sflag:$0x2], $0x20, s30, s11, $0xb8;
	[tilespmem:$0x1C8B0] =	vst v63  }
0x59: {  	_ =	swait.ge [sflag:s10], $0x100  }
0x5a: {  	[sflag:s10] =	ssyncset.done $0x0  }
0x5b: {  	[sflag:s10] =	ssyncadd.s32 $0xFFFFFF00  }
0x5c: {  	p1 =	sne.s32 s17, $0xC0000;
	_ =	swait.ge [sflag:s10], $0x2000  }
.Ltmp3:
0x5d: {  	[sflag:s10] =	ssyncset.done $0x0;
	(pc) =	sbr.rel @!p1 .LBB2_13-.Ltmp3, $4  }
0x5e: {  	[sflag:s10] =	ssyncadd.s32 $0xFFFFE000  }
0x5f: {  	_ =	swait.ge [sflag:s12], $0x2000  }
0x60: {  	[sflag:s12] =	ssyncset.done $0x0  }
0x61: {  	[sflag:s12] =	ssyncadd.s32 $0xFFFFE000  }
0x62: {  	[tilespmem:s30], [sflag:$0x1] =	stream.linear.gather [hbm4b:s28+s3], $0x100, $0x38;
	[tilespmem:$0x1C8B0] =	vst v63  }
0x63: {  	s17 =	sadd.s32 $0x2000, s17  }
0x64: {  	p1 =	sne.s32 s17, $0xC2000  }
.Ltmp4:
0x65: {  	_ = 	snop;
	(pc) =	sbr.rel @p1 .LBB2_12-.Ltmp4, $4  }
.Ltmp5:
0x66: {  	s19 =	sadd.s32 $0x4004, s19;
	(pc) =	sbr.rel @!p1 .LBB2_15-.Ltmp5, $4  }
0x67: {  	[tilespmem:s2], [sflag:$0x1] =	stream.strided.gather [hbm4b:s19+s31], $0x2000, s0, s31, $0x38;
	[tilespmem:$0x1C8B0] =	vst v63  }
0x68: {  	s28 =	sadd.s32 $0x40, s28  }
0x69: {  	[spmem:s1] =	stream.indirect.scatter.add.f32 [tilespmem:s9], [sflag:$0x2], $0x20, s8, s11, $0xb8;
	[tilespmem:$0x1C8B0] =	vst v63  }
0x6a: {  	_ = 	snop  }
.LBB2_2:
0x6b: {  	[tilespmem:s2], [sflag:$0x1] =	stream.strided.gather [hbm4b:s7+s31], $0x2000, s0, s31, $0x38;
	[tilespmem:$0x1C8B0] =	vst v63  }
0x6c: {  	s17 =	simm.s32 $0x0  }
0x6d: {  	[tilespmem:s8], [sflag:$0x1] =	stream.linear.gather [hbm4b:s20+s17], $0x100, $0x38;
	[tilespmem:$0x1C8B0] =	vst v63  }
0x6e: {  	s19 =	rddreg [dreg:$0x6]  }
0x6f: {  	[tilespmem:s9], [sflag:$0x1] =	stream.strided.gather [hbm4b:s19+s31], $0x2000, s0, s31, $0x38;
	[tilespmem:$0x1C8B0] =	vst v63  }
0x70: {  	_ =	swait.ge [sflag:s10], $0x100  }
0x71: {  	[sflag:s10] =	ssyncset.done $0x0  }
0x72: {  	[sflag:s10] =	ssyncadd.s32 $0xFFFFFF00  }
0x73: {  	_ =	swait.ge [sflag:s10], $0x2000  }
0x74: {  	[sflag:s10] =	ssyncset.done $0x0  }
0x75: {  	[sflag:s10] =	ssyncadd.s32 $0xFFFFE000  }
0x76: {  	[spmem:s1] =	stream.indirect.scatter.add.f32 [tilespmem:s2], [sflag:$0x2], $0x20, s30, s11, $0xb8;
	[tilespmem:$0x1C8B0] =	vst v63  }
0x77: {  	_ =	swait.ge [sflag:s10], $0x100  }
0x78: {  	[sflag:s10] =	ssyncset.done $0x0  }
0x79: {  	[sflag:s10] =	ssyncadd.s32 $0xFFFFFF00  }
0x7a: {  	_ =	swait.ge [sflag:s10], $0x2000  }
0x7b: {  	[sflag:s10] =	ssyncset.done $0x0  }
0x7c: {  	[sflag:s10] =	ssyncadd.s32 $0xFFFFE000  }
0x7d: {  	_ =	swait.ge [sflag:s12], $0x2000  }
0x7e: {  	[sflag:s12] =	ssyncset.done $0x0  }
0x7f: {  	[sflag:s12] =	ssyncadd.s32 $0xFFFFE000  }
0x80: {  	[tilespmem:s30], [sflag:$0x1] =	stream.linear.gather [hbm4b:s21+s17], $0x100, $0x38;
	[tilespmem:$0x1C8B0] =	vst v63  }
0x81: {  	s23 =	rddreg [dreg:$0x7]  }
0x82: {  	[tilespmem:s2], [sflag:$0x1] =	stream.strided.gather [hbm4b:s23+s31], $0x2000, s0, s31, $0x38;
	[tilespmem:$0x1C8B0] =	vst v63  }
0x83: {  	s28 =	smov.u32 s18  }
0x84: {  	[spmem:s1] =	stream.indirect.scatter.add.f32 [tilespmem:s9], [sflag:$0x2], $0x20, s8, s11, $0xb8;
	[tilespmem:$0x1C8B0] =	vst v63  }
.LBB2_3:
0x85: {  	_ =	swait.ge [sflag:s12], $0x2000  }
0x86: {  	[sflag:s12] =	ssyncset.done $0x0  }
0x87: {  	s19 =	sadd.s32 $0xFFFFFFE0, s28;
	[sflag:s12] =	ssyncadd.s32 $0xFFFFE000  }
0x88: {  	[tilespmem:s8], [sflag:$0x1] =	stream.linear.gather [hbm4b:s19+s3], $0x100, $0x38;
	[tilespmem:$0x1C8B0] =	vst v63  }
0x89: {  	s19 =	sadd.s32 s17, s7  }
0x8a: {  	s23 =	sadd.s32 $0x3000, s19  }
0x8b: {  	[tilespmem:s9], [sflag:$0x1] =	stream.strided.gather [hbm4b:s23+s31], $0x2000, s0, s31, $0x38;
	[tilespmem:$0x1C8B0] =	vst v63  }
0x8c: {  	_ =	swait.ge [sflag:s10], $0x100  }
0x8d: {  	[sflag:s10] =	ssyncset.done $0x0  }
0x8e: {  	[sflag:s10] =	ssyncadd.s32 $0xFFFFFF00  }
0x8f: {  	_ =	swait.ge [sflag:s10], $0x2000  }
0x90: {  	[sflag:s10] =	ssyncset.done $0x0  }
0x91: {  	[sflag:s10] =	ssyncadd.s32 $0xFFFFE000  }
0x92: {  	[spmem:s1] =	stream.indirect.scatter.add.f32 [tilespmem:s2], [sflag:$0x2], $0x20, s30, s11, $0xb8;
	[tilespmem:$0x1C8B0] =	vst v63  }
0x93: {  	_ =	swait.ge [sflag:s10], $0x100  }
0x94: {  	[sflag:s10] =	ssyncset.done $0x0  }
0x95: {  	[sflag:s10] =	ssyncadd.s32 $0xFFFFFF00  }
0x96: {  	p1 =	sne.s32 s17, $0xC0000;
	_ =	swait.ge [sflag:s10], $0x2000  }
.Ltmp6:
0x97: {  	[sflag:s10] =	ssyncset.done $0x0;
	(pc) =	sbr.rel @!p1 .LBB2_4-.Ltmp6, $4  }
0x98: {  	[sflag:s10] =	ssyncadd.s32 $0xFFFFE000  }
0x99: {  	_ =	swait.ge [sflag:s12], $0x2000  }
0x9a: {  	[sflag:s12] =	ssyncset.done $0x0  }
0x9b: {  	[sflag:s12] =	ssyncadd.s32 $0xFFFFE000  }
0x9c: {  	[tilespmem:s30], [sflag:$0x1] =	stream.linear.gather [hbm4b:s28+s3], $0x100, $0x38;
	[tilespmem:$0x1C8B0] =	vst v63  }
0x9d: {  	s17 =	sadd.s32 $0x2000, s17  }
0x9e: {  	p1 =	sne.s32 s17, $0xC2000  }
.Ltmp7:
0x9f: {  	_ = 	snop;
	(pc) =	sbr.rel @p1 .LBB2_3-.Ltmp7, $4  }
.Ltmp8:
0xa0: {  	s19 =	sadd.s32 $0x4000, s19;
	(pc) =	sbr.rel @!p1 .LBB2_6-.Ltmp8, $4  }
0xa1: {  	[tilespmem:s2], [sflag:$0x1] =	stream.strided.gather [hbm4b:s19+s31], $0x2000, s0, s31, $0x38;
	[tilespmem:$0x1C8B0] =	vst v63  }
0xa2: {  	s28 =	sadd.s32 $0x40, s28  }
0xa3: {  	[spmem:s1] =	stream.indirect.scatter.add.f32 [tilespmem:s9], [sflag:$0x2], $0x20, s8, s11, $0xb8;
	[tilespmem:$0x1C8B0] =	vst v63  }
0xa4: {  	_ = 	snop  }
.LBB2_13:
0xa5: {  	[spmem:s1] =	stream.indirect.scatter.add.f32 [tilespmem:s9], [sflag:$0x2], $0x20, s8, s11, $0xb8;
	[tilespmem:$0x1C8B0] =	vst v63  }
.LBB2_15:
0xa6: {  	_ =	swait.ge [sflag:s12], $0x2000  }
0xa7: {  	[sflag:s12] =	ssyncset.done $0x0  }
0xa8: {  	[sflag:s12] =	ssyncadd.s32 $0xFFFFE000  }
0xa9: {  	[bflag:$0x0] =	sbarrier.arrive $0xFFFF  }
0xaa: {  	s17 =	rddreg [dreg:$0xf]  }
0xab: {  	[hbm:s17@s13], [sflag:s26] =	dma.strided [spmem:s16@s14], $0x30D4, s10, $0x4   }
0xac: {  	_ =	swait.ge [sflag:s29], $0x30D4  }
0xad: {  	[sflag:s29] =	ssyncset.done $0x0  }
0xae: {  	[sflag:s29] =	ssyncadd.s32 $0xFFFFCF2C  }
0xaf: {  	[bflag:$0x0] =	sbarrier.arrive $0xFFFF  }
0xb0: {  	[spmem:s16], [sflag:s26] =	dma.local [hbm:s4], $0x30D4  }
0xb1: {  	_ =	swait.ge [sflag:s29], $0x30D4  }
0xb2: {  	[sflag:s29] =	ssyncset.done $0x0  }
0xb3: {  	[sflag:s29] =	ssyncadd.s32 $0xFFFFCF2C  }
0xb4: {  	s17 =	simm.s32 $0x0;
	[bflag:$0x0] =	sbarrier.arrive $0xFFFF  }
0xb5: {  	[tilespmem:s30], [sflag:$0x1] =	stream.linear.gather [hbm4b:s6+s17], $0x100, $0x38;
	[tilespmem:$0x1C8B0] =	vst v63  }
0xb6: {  	s19 =	rddreg [dreg:$0x5]  }
0xb7: {  	[tilespmem:s2], [sflag:$0x1] =	stream.strided.gather [hbm4b:s19+s31], $0x2000, s0, s31, $0x38;
	[tilespmem:$0x1C8B0] =	vst v63  }
0xb8: {  	_ = 	snop  }
0xb9: {  	[tilespmem:s8], [sflag:$0x1] =	stream.linear.gather [hbm4b:s20+s17], $0x100, $0x38;
	[tilespmem:$0x1C8B0] =	vst v63  }
0xba: {  	s23 =	rddreg [dreg:$0xc]  }
0xbb: {  	[tilespmem:s9], [sflag:$0x1] =	stream.strided.gather [hbm4b:s23+s31], $0x2000, s0, s31, $0x38;
	[tilespmem:$0x1C8B0] =	vst v63  }
0xbc: {  	_ =	swait.ge [sflag:s10], $0x100  }
0xbd: {  	[sflag:s10] =	ssyncset.done $0x0  }
0xbe: {  	[sflag:s10] =	ssyncadd.s32 $0xFFFFFF00  }
0xbf: {  	_ =	swait.ge [sflag:s10], $0x2000  }
0xc0: {  	[sflag:s10] =	ssyncset.done $0x0  }
0xc1: {  	[sflag:s10] =	ssyncadd.s32 $0xFFFFE000  }
0xc2: {  	[spmem:s1] =	stream.indirect.scatter.add.f32 [tilespmem:s2], [sflag:$0x2], $0x20, s30, s11, $0xb8;
	[tilespmem:$0x1C8B0] =	vst v63  }
0xc3: {  	_ =	swait.ge [sflag:s10], $0x100  }
0xc4: {  	[sflag:s10] =	ssyncset.done $0x0  }
0xc5: {  	[sflag:s10] =	ssyncadd.s32 $0xFFFFFF00  }
0xc6: {  	_ =	swait.ge [sflag:s10], $0x2000  }
0xc7: {  	[sflag:s10] =	ssyncset.done $0x0  }
0xc8: {  	[sflag:s10] =	ssyncadd.s32 $0xFFFFE000  }
0xc9: {  	_ =	swait.ge [sflag:s12], $0x2000  }
0xca: {  	[sflag:s12] =	ssyncset.done $0x0  }
0xcb: {  	[sflag:s12] =	ssyncadd.s32 $0xFFFFE000  }
0xcc: {  	[tilespmem:s30], [sflag:$0x1] =	stream.linear.gather [hbm4b:s21+s17], $0x100, $0x38;
	[tilespmem:$0x1C8B0] =	vst v63  }
0xcd: {  	s23 =	rddreg [dreg:$0xd]  }
0xce: {  	[tilespmem:s2], [sflag:$0x1] =	stream.strided.gather [hbm4b:s23+s31], $0x2000, s0, s31, $0x38;
	[tilespmem:$0x1C8B0] =	vst v63  }
0xcf: {  	s28 =	smov.u32 s18  }
0xd0: {  	[spmem:s1] =	stream.indirect.scatter.add.f32 [tilespmem:s9], [sflag:$0x2], $0x20, s8, s11, $0xb8;
	[tilespmem:$0x1C8B0] =	vst v63  }
.LBB2_16:
0xd1: {  	_ =	swait.ge [sflag:s12], $0x2000  }
0xd2: {  	[sflag:s12] =	ssyncset.done $0x0  }
0xd3: {  	s19 =	sadd.s32 $0xFFFFFFE0, s28;
	[sflag:s12] =	ssyncadd.s32 $0xFFFFE000  }
0xd4: {  	[tilespmem:s8], [sflag:$0x1] =	stream.linear.gather [hbm4b:s19+s3], $0x100, $0x38;
	[tilespmem:$0x1C8B0] =	vst v63  }
0xd5: {  	s19 =	sadd.s32 s17, s7  }
0xd6: {  	s23 =	sadd.s32 $0x300C, s19  }
0xd7: {  	[tilespmem:s9], [sflag:$0x1] =	stream.strided.gather [hbm4b:s23+s31], $0x2000, s0, s31, $0x38;
	[tilespmem:$0x1C8B0] =	vst v63  }
0xd8: {  	_ =	swait.ge [sflag:s10], $0x100  }
0xd9: {  	[sflag:s10] =	ssyncset.done $0x0  }
0xda: {  	[sflag:s10] =	ssyncadd.s32 $0xFFFFFF00  }
0xdb: {  	_ =	swait.ge [sflag:s10], $0x2000  }
0xdc: {  	[sflag:s10] =	ssyncset.done $0x0  }
0xdd: {  	[sflag:s10] =	ssyncadd.s32 $0xFFFFE000  }
0xde: {  	[spmem:s1] =	stream.indirect.scatter.add.f32 [tilespmem:s2], [sflag:$0x2], $0x20, s30, s11, $0xb8;
	[tilespmem:$0x1C8B0] =	vst v63  }
0xdf: {  	_ =	swait.ge [sflag:s10], $0x100  }
0xe0: {  	[sflag:s10] =	ssyncset.done $0x0  }
0xe1: {  	[sflag:s10] =	ssyncadd.s32 $0xFFFFFF00  }
0xe2: {  	p1 =	seq.s32 s17, $0xC0000;
	_ =	swait.ge [sflag:s10], $0x2000  }
.Ltmp9:
0xe3: {  	[sflag:s10] =	ssyncset.done $0x0;
	(pc) =	sbr.rel @p1 .LBB2_17-.Ltmp9, $4  }
0xe4: {  	[sflag:s10] =	ssyncadd.s32 $0xFFFFE000  }
0xe5: {  	_ =	swait.ge [sflag:s12], $0x2000  }
0xe6: {  	[sflag:s12] =	ssyncset.done $0x0  }
0xe7: {  	[sflag:s12] =	ssyncadd.s32 $0xFFFFE000  }
0xe8: {  	[tilespmem:s30], [sflag:$0x1] =	stream.linear.gather [hbm4b:s28+s3], $0x100, $0x38;
	[tilespmem:$0x1C8B0] =	vst v63  }
0xe9: {  	s17 =	sadd.s32 $0x2000, s17  }
0xea: {  	p1 =	seq.s32 s17, $0xC2000  }
.Ltmp10:
0xeb: {  	_ = 	snop;
	(pc) =	sbr.rel @!p1 .LBB2_16-.Ltmp10, $4  }
0xec: {  	s19 =	sadd.s32 $0x400C, s19  }
0xed: {  	[tilespmem:s2], [sflag:$0x1] =	stream.strided.gather [hbm4b:s19+s31], $0x2000, s0, s31, $0x38;
	[tilespmem:$0x1C8B0] =	vst v63  }
0xee: {  	s28 =	sadd.s32 $0x40, s28  }
0xef: {  	[spmem:s1] =	stream.indirect.scatter.add.f32 [tilespmem:s9], [sflag:$0x2], $0x20, s8, s11, $0xb8;
	[tilespmem:$0x1C8B0] =	vst v63  }
.Ltmp11:
0xf0: {  	(pc) =	sbr.rel .LBB2_20-.Ltmp11, $2  }
0xf1: {  	_ =	sdelay $0x2  }
0xf2: {  	s17 =	smov.u32 s24  }
.LBB2_4:
0xf3: {  	[spmem:s1] =	stream.indirect.scatter.add.f32 [tilespmem:s9], [sflag:$0x2], $0x20, s8, s11, $0xb8;
	[tilespmem:$0x1C8B0] =	vst v63  }
.LBB2_6:
0xf4: {  	_ =	swait.ge [sflag:s12], $0x2000  }
0xf5: {  	[sflag:s12] =	ssyncset.done $0x0  }
0xf6: {  	[sflag:s12] =	ssyncadd.s32 $0xFFFFE000  }
0xf7: {  	[bflag:$0x0] =	sbarrier.arrive $0xFFFF  }
0xf8: {  	s17 =	rddreg [dreg:$0xe]  }
0xf9: {  	[hbm:s17@s13], [sflag:s26] =	dma.strided [spmem:s16@s14], $0x30D4, s10, $0x4   }
0xfa: {  	_ =	swait.ge [sflag:s29], $0x30D4  }
0xfb: {  	[sflag:s29] =	ssyncset.done $0x0  }
0xfc: {  	[sflag:s29] =	ssyncadd.s32 $0xFFFFCF2C  }
0xfd: {  	[bflag:$0x0] =	sbarrier.arrive $0xFFFF  }
0xfe: {  	[spmem:s16], [sflag:s26] =	dma.local [hbm:s4], $0x30D4  }
0xff: {  	_ =	swait.ge [sflag:s29], $0x30D4  }
0x100: {  	[sflag:s29] =	ssyncset.done $0x0  }
0x101: {  	[sflag:s29] =	ssyncadd.s32 $0xFFFFCF2C  }
0x102: {  	s17 =	simm.s32 $0x0;
	[bflag:$0x0] =	sbarrier.arrive $0xFFFF  }
0x103: {  	[tilespmem:s30], [sflag:$0x1] =	stream.linear.gather [hbm4b:s6+s17], $0x100, $0x38;
	[tilespmem:$0x1C8B0] =	vst v63  }
0x104: {  	s19 =	rddreg [dreg:$0x3]  }
0x105: {  	[tilespmem:s2], [sflag:$0x1] =	stream.strided.gather [hbm4b:s19+s31], $0x2000, s0, s31, $0x38;
	[tilespmem:$0x1C8B0] =	vst v63  }
0x106: {  	_ = 	snop  }
0x107: {  	[tilespmem:s8], [sflag:$0x1] =	stream.linear.gather [hbm4b:s20+s17], $0x100, $0x38;
	[tilespmem:$0x1C8B0] =	vst v63  }
0x108: {  	s23 =	rddreg [dreg:$0x8]  }
0x109: {  	[tilespmem:s9], [sflag:$0x1] =	stream.strided.gather [hbm4b:s23+s31], $0x2000, s0, s31, $0x38;
	[tilespmem:$0x1C8B0] =	vst v63  }
0x10a: {  	_ =	swait.ge [sflag:s10], $0x100  }
0x10b: {  	[sflag:s10] =	ssyncset.done $0x0  }
0x10c: {  	[sflag:s10] =	ssyncadd.s32 $0xFFFFFF00  }
0x10d: {  	_ =	swait.ge [sflag:s10], $0x2000  }
0x10e: {  	[sflag:s10] =	ssyncset.done $0x0  }
0x10f: {  	[sflag:s10] =	ssyncadd.s32 $0xFFFFE000  }
0x110: {  	[spmem:s1] =	stream.indirect.scatter.add.f32 [tilespmem:s2], [sflag:$0x2], $0x20, s30, s11, $0xb8;
	[tilespmem:$0x1C8B0] =	vst v63  }
0x111: {  	_ =	swait.ge [sflag:s10], $0x100  }
0x112: {  	[sflag:s10] =	ssyncset.done $0x0  }
0x113: {  	[sflag:s10] =	ssyncadd.s32 $0xFFFFFF00  }
0x114: {  	_ =	swait.ge [sflag:s10], $0x2000  }
0x115: {  	[sflag:s10] =	ssyncset.done $0x0  }
0x116: {  	[sflag:s10] =	ssyncadd.s32 $0xFFFFE000  }
0x117: {  	_ =	swait.ge [sflag:s12], $0x2000  }
0x118: {  	[sflag:s12] =	ssyncset.done $0x0  }
0x119: {  	[sflag:s12] =	ssyncadd.s32 $0xFFFFE000  }
0x11a: {  	[tilespmem:s30], [sflag:$0x1] =	stream.linear.gather [hbm4b:s21+s17], $0x100, $0x38;
	[tilespmem:$0x1C8B0] =	vst v63  }
0x11b: {  	s23 =	rddreg [dreg:$0x9]  }
0x11c: {  	[tilespmem:s2], [sflag:$0x1] =	stream.strided.gather [hbm4b:s23+s31], $0x2000, s0, s31, $0x38;
	[tilespmem:$0x1C8B0] =	vst v63  }
0x11d: {  	s28 =	smov.u32 s18  }
0x11e: {  	[spmem:s1] =	stream.indirect.scatter.add.f32 [tilespmem:s9], [sflag:$0x2], $0x20, s8, s11, $0xb8;
	[tilespmem:$0x1C8B0] =	vst v63  }
.LBB2_7:
0x11f: {  	_ =	swait.ge [sflag:s12], $0x2000  }
0x120: {  	[sflag:s12] =	ssyncset.done $0x0  }
0x121: {  	s19 =	sadd.s32 $0xFFFFFFE0, s28;
	[sflag:s12] =	ssyncadd.s32 $0xFFFFE000  }
0x122: {  	[tilespmem:s8], [sflag:$0x1] =	stream.linear.gather [hbm4b:s19+s3], $0x100, $0x38;
	[tilespmem:$0x1C8B0] =	vst v63  }
0x123: {  	s19 =	sadd.s32 s17, s7  }
0x124: {  	s23 =	sadd.s32 $0x3008, s19  }
0x125: {  	[tilespmem:s9], [sflag:$0x1] =	stream.strided.gather [hbm4b:s23+s31], $0x2000, s0, s31, $0x38;
	[tilespmem:$0x1C8B0] =	vst v63  }
0x126: {  	_ =	swait.ge [sflag:s10], $0x100  }
0x127: {  	[sflag:s10] =	ssyncset.done $0x0  }
0x128: {  	[sflag:s10] =	ssyncadd.s32 $0xFFFFFF00  }
0x129: {  	_ =	swait.ge [sflag:s10], $0x2000  }
0x12a: {  	[sflag:s10] =	ssyncset.done $0x0  }
0x12b: {  	[sflag:s10] =	ssyncadd.s32 $0xFFFFE000  }
0x12c: {  	[spmem:s1] =	stream.indirect.scatter.add.f32 [tilespmem:s2], [sflag:$0x2], $0x20, s30, s11, $0xb8;
	[tilespmem:$0x1C8B0] =	vst v63  }
0x12d: {  	_ =	swait.ge [sflag:s10], $0x100  }
0x12e: {  	[sflag:s10] =	ssyncset.done $0x0  }
0x12f: {  	[sflag:s10] =	ssyncadd.s32 $0xFFFFFF00  }
0x130: {  	p1 =	seq.s32 s17, $0xC0000;
	_ =	swait.ge [sflag:s10], $0x2000  }
.Ltmp12:
0x131: {  	[sflag:s10] =	ssyncset.done $0x0;
	(pc) =	sbr.rel @p1 .LBB2_8-.Ltmp12, $4  }
0x132: {  	[sflag:s10] =	ssyncadd.s32 $0xFFFFE000  }
0x133: {  	_ =	swait.ge [sflag:s12], $0x2000  }
0x134: {  	[sflag:s12] =	ssyncset.done $0x0  }
0x135: {  	[sflag:s12] =	ssyncadd.s32 $0xFFFFE000  }
0x136: {  	[tilespmem:s30], [sflag:$0x1] =	stream.linear.gather [hbm4b:s28+s3], $0x100, $0x38;
	[tilespmem:$0x1C8B0] =	vst v63  }
0x137: {  	s17 =	sadd.s32 $0x2000, s17  }
0x138: {  	p1 =	seq.s32 s17, $0xC2000  }
.Ltmp13:
0x139: {  	_ = 	snop;
	(pc) =	sbr.rel @!p1 .LBB2_7-.Ltmp13, $4  }
0x13a: {  	s19 =	sadd.s32 $0x4008, s19  }
0x13b: {  	[tilespmem:s2], [sflag:$0x1] =	stream.strided.gather [hbm4b:s19+s31], $0x2000, s0, s31, $0x38;
	[tilespmem:$0x1C8B0] =	vst v63  }
0x13c: {  	s28 =	sadd.s32 $0x40, s28  }
0x13d: {  	[spmem:s1] =	stream.indirect.scatter.add.f32 [tilespmem:s9], [sflag:$0x2], $0x20, s8, s11, $0xb8;
	[tilespmem:$0x1C8B0] =	vst v63  }
.Ltmp14:
0x13e: {  	(pc) =	sbr.rel .LBB2_20-.Ltmp14, $2  }
0x13f: {  	_ =	sdelay $0x2  }
0x140: {  	s17 =	smov.u32 s22  }
.LBB2_8:
.Ltmp15:
0x141: {  	(pc) =	sbr.rel .LBB2_20-.Ltmp15, $3  }
0x142: {  	_ =	sdelay $0x1  }
0x143: {  	s17 =	smov.u32 s22  }
0x144: {  	[spmem:s1] =	stream.indirect.scatter.add.f32 [tilespmem:s9], [sflag:$0x2], $0x20, s8, s11, $0xb8;
	[tilespmem:$0x1C8B0] =	vst v63  }
.LBB2_21:
0x145: {  	_ =	sfence.sel $0x180000  }
0x146: {  	[bflag:$0x0] =	sbarrier.arrive $0xFFFF  }
0x147: {  	_ =	strace $0x9000004A  }
0x148: {  	s0 =	stileid.u32;
	[bflag:$0x2] =	sbarrier.arrive $0xFFFF  }
0x149: {  	p0 =	sne.s32 s0, $0x0;
	s0 =	rddreg [dreg:$0x2]  }
0x14a: {  	s0 =	sadd.s32 @!p0 $0x100000, s0  }
0x14b: {  	[sflag:s0] =	ssyncadd.tile.s32 @!p0 $0x1;
	_ =	shalt  }
.Lfunc_end2:
_tile_overlayer_lowered:
.L_overlay_start_2:
0x14c: {  	(tag) =	ssettag $0x2  }
0x14d: {  	s0 =	rddreg [dreg:$0x0];
	s2 =	stileid.u32  }
0x14e: {  	s1 =	rddreg [dreg:$0x1];
	p0 =	sne.s32 s2, $0x0  }
0x14f: {  	s3 =	rddreg [dreg:$0x2];
	[bflag:$0x3] =	sbarrier.arrive $0xFFFF;
	s2 =	simm.s32 @!p0 $0x1C03  }
0x150: {  	[timem:s3], [sflag:s2] =	dma.local @!p0 [hbm:s0], s1  }
0x151: {  	s0 =	simm.s32 @!p0 $0x3  }
0x152: {  	_ =	swait.ge @!p0 [sflag:s0], s1  }
0x153: {  	s1 =	ssub.s32 @!p0 $0x0, s1;
	[sflag:s0] =	ssyncset.done @!p0 $0x0  }
0x154: {  	[sflag:s0] =	ssyncadd.s32 @!p0 s1  }
0x155: {  	[bflag:$0x3] =	sbarrier.arrive $0xFFFF  }
0x156: {  	_ =	shalt  }

</sc_bundles>
